<compile_context>
chip_gen: v7x
topology: tpu7x:2x2x1
jax: 0.10.2.dev20260603
libtpu: 0.0.44.dev20260713+nightly
codegen_flags: <defaults>
</compile_context>

<pallas_src>
import functools

import jax
import jax.numpy as jnp
import numpy as np
from jax import lax
from jax.experimental import pallas as pl
from jax.experimental.pallas import tpu as pltpu
from jax.experimental.pallas import tpu_sc as plsc

B = 16384
F = 26
C = 100
D = F * C
NC, NS = 2, 16
NW = NC * NS
L = 16
ROWS_W = B // NW
ROWS_CH = 16
NCH = ROWS_W // ROWS_CH
PTS = ROWS_CH * F
NV = PTS // L
BUFW = ROWS_CH * D

_BASE = np.array(
    [(p // F) * D + (p % F) * C for p in range(PTS)], np.int32
)


def _scatter_chunk(buf, xv, bases_v, pts_base, value):
    val_vec = jnp.full((L,), value, jnp.float32)
    for j in range(NV):
        base = bases_v[pl.ds(j * L, L)]
        vals = xv[pl.ds(pts_base + j * L, L)]
        plsc.store_scatter(buf, [base + vals], val_vec)


@functools.partial(
    pl.kernel,
    out_type=jax.ShapeDtypeStruct((B * D,), jnp.float32),
    mesh=plsc.VectorSubcoreMesh(core_axis_name="c", subcore_axis_name="s"),
    scratch_types=[
        pltpu.VMEM((ROWS_W * F,), jnp.int32),
        pltpu.VMEM((PTS,), jnp.int32),
        pltpu.VMEM((BUFW,), jnp.float32),
        pltpu.VMEM((BUFW,), jnp.float32),
        pltpu.SemaphoreType.DMA,
        pltpu.SemaphoreType.DMA,
        pltpu.SemaphoreType.DMA,
    ],
    compiler_params=pltpu.CompilerParams(needs_layout_passes=False),
)
def _onehot_sc(x_hbm, bases_hbm, z_hbm, out_hbm, xv, bases_v, buf0, buf1, sem_x, sem_a, sem_b):
    wid = lax.axis_index("s") * NC + lax.axis_index("c")
    out_w = wid * (ROWS_W * D)

    cx = pltpu.make_async_copy(
        x_hbm.at[pl.ds(wid * (ROWS_W * F), ROWS_W * F)], xv, sem_x
    )
    cx.start()
    cb = pltpu.make_async_copy(bases_hbm, bases_v, sem_x)
    cb.start()
    cz0 = pltpu.make_async_copy(z_hbm, buf0, sem_a)
    cz0.start()
    cz1 = pltpu.make_async_copy(z_hbm, buf1, sem_b)
    cz1.start()
    cx.wait()
    cb.wait()
    cz0.wait()
    cz1.wait()

    sems = (sem_a, sem_b)
    bufs = (buf0, buf1)

    for c in range(2):
        _scatter_chunk(bufs[c], xv, bases_v, c * PTS, 1.0)
        pltpu.make_async_copy(
            bufs[c], out_hbm.at[pl.ds(out_w + c * BUFW, BUFW)], sems[c]
        ).start()

    def step(c2, carry):
        for b in range(2):
            c = c2 * 2 + b
            pltpu.make_async_copy(
                bufs[b], out_hbm.at[pl.ds(out_w, BUFW)], sems[b]
            ).wait()
            _scatter_chunk(bufs[b], xv, bases_v, (c - 2) * PTS, 0.0)
            _scatter_chunk(bufs[b], xv, bases_v, c * PTS, 1.0)
            pltpu.make_async_copy(
                bufs[b], out_hbm.at[pl.ds(out_w + c * BUFW, BUFW)], sems[b]
            ).start()
        return carry

    lax.fori_loop(1, NCH // 2, step, 0)

    for b in range(2):
        pltpu.make_async_copy(
            bufs[b], out_hbm.at[pl.ds(out_w, BUFW)], sems[b]
        ).wait()


def kernel(x):
    x_flat = x.reshape(-1).astype(jnp.int32)
    bases = jnp.asarray(_BASE)
    zeros = jnp.zeros((BUFW,), jnp.float32)
    out = _onehot_sc(x_flat, bases, zeros)
    return out.reshape(B, D)

# --- scband reference (transcript-rebuilt; emitter-appended) ---
"""Pipeline reference for scband-one-hot-encoding0d-12223476925076 (READ-ONLY COPY).

The authoritative reference and input builder live on the scoring server;
editing this copy changes nothing except your own understanding.
"""

import jax, jax.numpy as jnp
import numpy as np

CARDINALITIES = [100] * 26

def setup_inputs(seed: int = 0) -> dict:
    key = jax.random.key(seed)
    x = jax.random.randint(key, (16384, 26), 0, 100, dtype=jnp.int64 if jax.config.jax_enable_x64 else jnp.int32)
    return {"x": x}

def reference(x):
    # Faithful translation of OneHotEncoding0d.forward:
    # for each field i, one_hot to (cardinality+1) classes then drop the last
    # column (so value == cardinality encodes as all-zeros / 'missing'), concat.
    assert x.ndim >= 1
    assert x.shape[-1] == len(CARDINALITIES)
    outs = []
    for i, cardinality in enumerate(CARDINALITIES):
        oh = jax.nn.one_hot(x[..., i], cardinality + 1, dtype=jnp.float32)[..., :-1]
        outs.append(oh)
    return jnp.concatenate(outs, axis=-1)

if __name__ == "__main__":
    import jax
    _d = setup_inputs()
    print(jax.jit(kernel)(*tuple(_d.values())))

</pallas_src>

<mosaic_0001>
#map = affine_map<(d0, d1) -> (0)>
module attributes {stable_mosaic.version = 14 : i64} {
  func.func @_onehot_sc(%arg0: i32, %arg1: i32, %arg2: memref<425984xi32, #tpu.memory_space<hbm>>, %arg3: memref<416xi32, #tpu.memory_space<hbm>>, %arg4: memref<41600xf32, #tpu.memory_space<hbm>>, %arg5: memref<42598400xf32, #tpu.memory_space<hbm>>, %arg6: memref<13312xi32, #tpu.memory_space<vmem>>, %arg7: memref<416xi32, #tpu.memory_space<vmem>>, %arg8: memref<41600xf32, #tpu.memory_space<vmem>>, %arg9: memref<41600xf32, #tpu.memory_space<vmem>>, %arg10: memref<!tpu.dma_semaphore, #tpu.memory_space<semaphore_mem>>, %arg11: memref<!tpu.dma_semaphore, #tpu.memory_space<semaphore_mem>>, %arg12: memref<!tpu.dma_semaphore, #tpu.memory_space<semaphore_mem>>) attributes {dimension_semantics = [#tpu.dimension_semantics<core_parallel>, #tpu.dimension_semantics<subcore_parallel>], iteration_bounds = array<i64: 2, 16>, scalar_prefetch = 0 : i64, scratch_operands = 7 : i64, tpu.core_type = #tpu.core_type<sc_vector_subcore>, window_params = [{transform_indices = #map}, {transform_indices = #map}, {transform_indices = #map}, {transform_indices = #map}]} {
    %mul3A = arith.constant 2 : i32
    %mul3A_0 = arith.muli %arg1, %mul3A : i32
    %add3A = arith.addi %mul3A_0, %arg0 : i32
    %mul3A_1 = arith.constant 1331200 : i32
    %mul3A_2 = arith.muli %add3A, %mul3A_1 : i32
    %mul3A_3 = arith.constant 13312 : i32
    %mul3A_4 = arith.muli %add3A, %mul3A_3 : i32
    %dma_start3A = tpu.memref_slice %arg2[%mul3A_4] : memref<425984xi32, #tpu.memory_space<hbm>> -> memref<13312xi32, #tpu.memory_space<hbm>>
    %dma_start3A_5 = tpu.memref_slice %arg2[%mul3A_4] : memref<425984xi32, #tpu.memory_space<hbm>> -> memref<13312xi32, #tpu.memory_space<hbm>>
    tpu.enqueue_dma source(%dma_start3A_5 : memref<13312xi32, #tpu.memory_space<hbm>>) target(%arg6 : memref<13312xi32, #tpu.memory_space<vmem>>) target_semaphore(%arg10 : memref<!tpu.dma_semaphore, #tpu.memory_space<semaphore_mem>>)
    tpu.enqueue_dma source(%arg3 : memref<416xi32, #tpu.memory_space<hbm>>) target(%arg7 : memref<416xi32, #tpu.memory_space<vmem>>) target_semaphore(%arg10 : memref<!tpu.dma_semaphore, #tpu.memory_space<semaphore_mem>>)
    tpu.enqueue_dma source(%arg4 : memref<41600xf32, #tpu.memory_space<hbm>>) target(%arg8 : memref<41600xf32, #tpu.memory_space<vmem>>) target_semaphore(%arg11 : memref<!tpu.dma_semaphore, #tpu.memory_space<semaphore_mem>>)
    tpu.enqueue_dma source(%arg4 : memref<41600xf32, #tpu.memory_space<hbm>>) target(%arg9 : memref<41600xf32, #tpu.memory_space<vmem>>) target_semaphore(%arg12 : memref<!tpu.dma_semaphore, #tpu.memory_space<semaphore_mem>>)
    %dma_wait3A = tpu.memref_slice %arg2[%mul3A_4] : memref<425984xi32, #tpu.memory_space<hbm>> -> memref<13312xi32, #tpu.memory_space<hbm>>
    %dma_wait3A_6 = tpu.memref_slice %arg2[%mul3A_4] : memref<425984xi32, #tpu.memory_space<hbm>> -> memref<13312xi32, #tpu.memory_space<hbm>>
    tpu.wait_dma2 semaphore(%arg10 : memref<!tpu.dma_semaphore, #tpu.memory_space<semaphore_mem>>) src(%dma_wait3A_6 : memref<13312xi32, #tpu.memory_space<hbm>>) dst(%arg6 : memref<13312xi32, #tpu.memory_space<vmem>>)
    tpu.wait_dma2 semaphore(%arg10 : memref<!tpu.dma_semaphore, #tpu.memory_space<semaphore_mem>>) src(%arg3 : memref<416xi32, #tpu.memory_space<hbm>>) dst(%arg7 : memref<416xi32, #tpu.memory_space<vmem>>)
    tpu.wait_dma2 semaphore(%arg11 : memref<!tpu.dma_semaphore, #tpu.memory_space<semaphore_mem>>) src(%arg4 : memref<41600xf32, #tpu.memory_space<hbm>>) dst(%arg8 : memref<41600xf32, #tpu.memory_space<vmem>>)
    tpu.wait_dma2 semaphore(%arg12 : memref<!tpu.dma_semaphore, #tpu.memory_space<semaphore_mem>>) src(%arg4 : memref<41600xf32, #tpu.memory_space<hbm>>) dst(%arg9 : memref<41600xf32, #tpu.memory_space<vmem>>)
    %broadcast_in_dim3A = arith.constant 1.000000e+00 : f32
    %broadcast_in_dim3A_7 = vector.broadcast %broadcast_in_dim3A : f32 to vector<16xf32>
    %get3A = arith.constant 0 : index
    %get3A_8 = tpu.vector_load %arg7[%get3A] {strides = array<i32>} : memref<416xi32, #tpu.memory_space<vmem>>, vector<16xi32>,
    %get3A_9 = arith.constant 0 : index
    %get3A_10 = tpu.vector_load %arg6[%get3A_9] {strides = array<i32>} : memref<13312xi32, #tpu.memory_space<vmem>>, vector<16xi32>,
    %add3A_11 = arith.addi %get3A_8, %get3A_10 : vector<16xi32>
    tpu.vector_store_idx %arg8[%add3A_11], %broadcast_in_dim3A_7 : memref<41600xf32, #tpu.memory_space<vmem>>[vector<16xi32>], vector<16xf32>,
    %get3A_12 = arith.constant 16 : index
    %get3A_13 = tpu.vector_load %arg7[%get3A_12] {strides = array<i32>} : memref<416xi32, #tpu.memory_space<vmem>>, vector<16xi32>,
    %get3A_14 = arith.constant 16 : index
    %get3A_15 = tpu.vector_load %arg6[%get3A_14] {strides = array<i32>} : memref<13312xi32, #tpu.memory_space<vmem>>, vector<16xi32>,
    %add3A_16 = arith.addi %get3A_13, %get3A_15 : vector<16xi32>
    tpu.vector_store_idx %arg8[%add3A_16], %broadcast_in_dim3A_7 : memref<41600xf32, #tpu.memory_space<vmem>>[vector<16xi32>], vector<16xf32>,
    %get3A_17 = arith.constant 32 : index
    %get3A_18 = tpu.vector_load %arg7[%get3A_17] {strides = array<i32>} : memref<416xi32, #tpu.memory_space<vmem>>, vector<16xi32>,
    %get3A_19 = arith.constant 32 : index
    %get3A_20 = tpu.vector_load %arg6[%get3A_19] {strides = array<i32>} : memref<13312xi32, #tpu.memory_space<vmem>>, vector<16xi32>,
    %add3A_21 = arith.addi %get3A_18, %get3A_20 : vector<16xi32>
    tpu.vector_store_idx %arg8[%add3A_21], %broadcast_in_dim3A_7 : memref<41600xf32, #tpu.memory_space<vmem>>[vector<16xi32>], vector<16xf32>,
    %get3A_22 = arith.constant 48 : index
    %get3A_23 = tpu.vector_load %arg7[%get3A_22] {strides = array<i32>} : memref<416xi32, #tpu.memory_space<vmem>>, vector<16xi32>,
    %get3A_24 = arith.constant 48 : index
    %get3A_25 = tpu.vector_load %arg6[%get3A_24] {strides = array<i32>} : memref<13312xi32, #tpu.memory_space<vmem>>, vector<16xi32>,
    %add3A_26 = arith.addi %get3A_23, %get3A_25 : vector<16xi32>
    tpu.vector_store_idx %arg8[%add3A_26], %broadcast_in_dim3A_7 : memref<41600xf32, #tpu.memory_space<vmem>>[vector<16xi32>], vector<16xf32>,
    %get3A_27 = arith.constant 64 : index
    %get3A_28 = tpu.vector_load %arg7[%get3A_27] {strides = array<i32>} : memref<416xi32, #tpu.memory_space<vmem>>, vector<16xi32>,
    %get3A_29 = arith.constant 64 : index
    %get3A_30 = tpu.vector_load %arg6[%get3A_29] {strides = array<i32>} : memref<13312xi32, #tpu.memory_space<vmem>>, vector<16xi32>,
    %add3A_31 = arith.addi %get3A_28, %get3A_30 : vector<16xi32>
    tpu.vector_store_idx %arg8[%add3A_31], %broadcast_in_dim3A_7 : memref<41600xf32, #tpu.memory_space<vmem>>[vector<16xi32>], vector<16xf32>,
    %get3A_32 = arith.constant 80 : index
    %get3A_33 = tpu.vector_load %arg7[%get3A_32] {strides = array<i32>} : memref<416xi32, #tpu.memory_space<vmem>>, vector<16xi32>,
    %get3A_34 = arith.constant 80 : index
    %get3A_35 = tpu.vector_load %arg6[%get3A_34] {strides = array<i32>} : memref<13312xi32, #tpu.memory_space<vmem>>, vector<16xi32>,
    %add3A_36 = arith.addi %get3A_33, %get3A_35 : vector<16xi32>
    tpu.vector_store_idx %arg8[%add3A_36], %broadcast_in_dim3A_7 : memref<41600xf32, #tpu.memory_space<vmem>>[vector<16xi32>], vector<16xf32>,
    %get3A_37 = arith.constant 96 : index
    %get3A_38 = tpu.vector_load %arg7[%get3A_37] {strides = array<i32>} : memref<416xi32, #tpu.memory_space<vmem>>, vector<16xi32>,
    %get3A_39 = arith.constant 96 : index
    %get3A_40 = tpu.vector_load %arg6[%get3A_39] {strides = array<i32>} : memref<13312xi32, #tpu.memory_space<vmem>>, vector<16xi32>,
    %add3A_41 = arith.addi %get3A_38, %get3A_40 : vector<16xi32>
    tpu.vector_store_idx %arg8[%add3A_41], %broadcast_in_dim3A_7 : memref<41600xf32, #tpu.memory_space<vmem>>[vector<16xi32>], vector<16xf32>,
    %get3A_42 = arith.constant 112 : index
    %get3A_43 = tpu.vector_load %arg7[%get3A_42] {strides = array<i32>} : memref<416xi32, #tpu.memory_space<vmem>>, vector<16xi32>,
    %get3A_44 = arith.constant 112 : index
    %get3A_45 = tpu.vector_load %arg6[%get3A_44] {strides = array<i32>} : memref<13312xi32, #tpu.memory_space<vmem>>, vector<16xi32>,
    %add3A_46 = arith.addi %get3A_43, %get3A_45 : vector<16xi32>
    tpu.vector_store_idx %arg8[%add3A_46], %broadcast_in_dim3A_7 : memref<41600xf32, #tpu.memory_space<vmem>>[vector<16xi32>], vector<16xf32>,
    %get3A_47 = arith.constant 128 : index
    %get3A_48 = tpu.vector_load %arg7[%get3A_47] {strides = array<i32>} : memref<416xi32, #tpu.memory_space<vmem>>, vector<16xi32>,
    %get3A_49 = arith.constant 128 : index
    %get3A_50 = tpu.vector_load %arg6[%get3A_49] {strides = array<i32>} : memref<13312xi32, #tpu.memory_space<vmem>>, vector<16xi32>,
    %add3A_51 = arith.addi %get3A_48, %get3A_50 : vector<16xi32>
    tpu.vector_store_idx %arg8[%add3A_51], %broadcast_in_dim3A_7 : memref<41600xf32, #tpu.memory_space<vmem>>[vector<16xi32>], vector<16xf32>,
    %get3A_52 = arith.constant 144 : index
    %get3A_53 = tpu.vector_load %arg7[%get3A_52] {strides = array<i32>} : memref<416xi32, #tpu.memory_space<vmem>>, vector<16xi32>,
    %get3A_54 = arith.constant 144 : index
    %get3A_55 = tpu.vector_load %arg6[%get3A_54] {strides = array<i32>} : memref<13312xi32, #tpu.memory_space<vmem>>, vector<16xi32>,
    %add3A_56 = arith.addi %get3A_53, %get3A_55 : vector<16xi32>
    tpu.vector_store_idx %arg8[%add3A_56], %broadcast_in_dim3A_7 : memref<41600xf32, #tpu.memory_space<vmem>>[vector<16xi32>], vector<16xf32>,
    %get3A_57 = arith.constant 160 : index
    %get3A_58 = tpu.vector_load %arg7[%get3A_57] {strides = array<i32>} : memref<416xi32, #tpu.memory_space<vmem>>, vector<16xi32>,
    %get3A_59 = arith.constant 160 : index
    %get3A_60 = tpu.vector_load %arg6[%get3A_59] {strides = array<i32>} : memref<13312xi32, #tpu.memory_space<vmem>>, vector<16xi32>,
    %add3A_61 = arith.addi %get3A_58, %get3A_60 : vector<16xi32>
    tpu.vector_store_idx %arg8[%add3A_61], %broadcast_in_dim3A_7 : memref<41600xf32, #tpu.memory_space<vmem>>[vector<16xi32>], vector<16xf32>,
    %get3A_62 = arith.constant 176 : index
    %get3A_63 = tpu.vector_load %arg7[%get3A_62] {strides = array<i32>} : memref<416xi32, #tpu.memory_space<vmem>>, vector<16xi32>,
    %get3A_64 = arith.constant 176 : index
    %get3A_65 = tpu.vector_load %arg6[%get3A_64] {strides = array<i32>} : memref<13312xi32, #tpu.memory_space<vmem>>, vector<16xi32>,
    %add3A_66 = arith.addi %get3A_63, %get3A_65 : vector<16xi32>
    tpu.vector_store_idx %arg8[%add3A_66], %broadcast_in_dim3A_7 : memref<41600xf32, #tpu.memory_space<vmem>>[vector<16xi32>], vector<16xf32>,
    %get3A_67 = arith.constant 192 : index
    %get3A_68 = tpu.vector_load %arg7[%get3A_67] {strides = array<i32>} : memref<416xi32, #tpu.memory_space<vmem>>, vector<16xi32>,
    %get3A_69 = arith.constant 192 : index
    %get3A_70 = tpu.vector_load %arg6[%get3A_69] {strides = array<i32>} : memref<13312xi32, #tpu.memory_space<vmem>>, vector<16xi32>,
    %add3A_71 = arith.addi %get3A_68, %get3A_70 : vector<16xi32>
    tpu.vector_store_idx %arg8[%add3A_71], %broadcast_in_dim3A_7 : memref<41600xf32, #tpu.memory_space<vmem>>[vector<16xi32>], vector<16xf32>,
    %get3A_72 = arith.constant 208 : index
    %get3A_73 = tpu.vector_load %arg7[%get3A_72] {strides = array<i32>} : memref<416xi32, #tpu.memory_space<vmem>>, vector<16xi32>,
    %get3A_74 = arith.constant 208 : index
    %get3A_75 = tpu.vector_load %arg6[%get3A_74] {strides = array<i32>} : memref<13312xi32, #tpu.memory_space<vmem>>, vector<16xi32>,
    %add3A_76 = arith.addi %get3A_73, %get3A_75 : vector<16xi32>
    tpu.vector_store_idx %arg8[%add3A_76], %broadcast_in_dim3A_7 : memref<41600xf32, #tpu.memory_space<vmem>>[vector<16xi32>], vector<16xf32>,
    %get3A_77 = arith.constant 224 : index
    %get3A_78 = tpu.vector_load %arg7[%get3A_77] {strides = array<i32>} : memref<416xi32, #tpu.memory_space<vmem>>, vector<16xi32>,
    %get3A_79 = arith.constant 224 : index
    %get3A_80 = tpu.vector_load %arg6[%get3A_79] {strides = array<i32>} : memref<13312xi32, #tpu.memory_space<vmem>>, vector<16xi32>,
    %add3A_81 = arith.addi %get3A_78, %get3A_80 : vector<16xi32>
    tpu.vector_store_idx %arg8[%add3A_81], %broadcast_in_dim3A_7 : memref<41600xf32, #tpu.memory_space<vmem>>[vector<16xi32>], vector<16xf32>,
    %get3A_82 = arith.constant 240 : index
    %get3A_83 = tpu.vector_load %arg7[%get3A_82] {strides = array<i32>} : memref<416xi32, #tpu.memory_space<vmem>>, vector<16xi32>,
    %get3A_84 = arith.constant 240 : index
    %get3A_85 = tpu.vector_load %arg6[%get3A_84] {strides = array<i32>} : memref<13312xi32, #tpu.memory_space<vmem>>, vector<16xi32>,
    %add3A_86 = arith.addi %get3A_83, %get3A_85 : vector<16xi32>
    tpu.vector_store_idx %arg8[%add3A_86], %broadcast_in_dim3A_7 : memref<41600xf32, #tpu.memory_space<vmem>>[vector<16xi32>], vector<16xf32>,
    %get3A_87 = arith.constant 256 : index
    %get3A_88 = tpu.vector_load %arg7[%get3A_87] {strides = array<i32>} : memref<416xi32, #tpu.memory_space<vmem>>, vector<16xi32>,
    %get3A_89 = arith.constant 256 : index
    %get3A_90 = tpu.vector_load %arg6[%get3A_89] {strides = array<i32>} : memref<13312xi32, #tpu.memory_space<vmem>>, vector<16xi32>,
    %add3A_91 = arith.addi %get3A_88, %get3A_90 : vector<16xi32>
    tpu.vector_store_idx %arg8[%add3A_91], %broadcast_in_dim3A_7 : memref<41600xf32, #tpu.memory_space<vmem>>[vector<16xi32>], vector<16xf32>,
    %get3A_92 = arith.constant 272 : index
    %get3A_93 = tpu.vector_load %arg7[%get3A_92] {strides = array<i32>} : memref<416xi32, #tpu.memory_space<vmem>>, vector<16xi32>,
    %get3A_94 = arith.constant 272 : index
    %get3A_95 = tpu.vector_load %arg6[%get3A_94] {strides = array<i32>} : memref<13312xi32, #tpu.memory_space<vmem>>, vector<16xi32>,
    %add3A_96 = arith.addi %get3A_93, %get3A_95 : vector<16xi32>
    tpu.vector_store_idx %arg8[%add3A_96], %broadcast_in_dim3A_7 : memref<41600xf32, #tpu.memory_space<vmem>>[vector<16xi32>], vector<16xf32>,
    %get3A_97 = arith.constant 288 : index
    %get3A_98 = tpu.vector_load %arg7[%get3A_97] {strides = array<i32>} : memref<416xi32, #tpu.memory_space<vmem>>, vector<16xi32>,
    %get3A_99 = arith.constant 288 : index
    %get3A_100 = tpu.vector_load %arg6[%get3A_99] {strides = array<i32>} : memref<13312xi32, #tpu.memory_space<vmem>>, vector<16xi32>,
    %add3A_101 = arith.addi %get3A_98, %get3A_100 : vector<16xi32>
    tpu.vector_store_idx %arg8[%add3A_101], %broadcast_in_dim3A_7 : memref<41600xf32, #tpu.memory_space<vmem>>[vector<16xi32>], vector<16xf32>,
    %get3A_102 = arith.constant 304 : index
    %get3A_103 = tpu.vector_load %arg7[%get3A_102] {strides = array<i32>} : memref<416xi32, #tpu.memory_space<vmem>>, vector<16xi32>,
    %get3A_104 = arith.constant 304 : index
    %get3A_105 = tpu.vector_load %arg6[%get3A_104] {strides = array<i32>} : memref<13312xi32, #tpu.memory_space<vmem>>, vector<16xi32>,
    %add3A_106 = arith.addi %get3A_103, %get3A_105 : vector<16xi32>
    tpu.vector_store_idx %arg8[%add3A_106], %broadcast_in_dim3A_7 : memref<41600xf32, #tpu.memory_space<vmem>>[vector<16xi32>], vector<16xf32>,
    %get3A_107 = arith.constant 320 : index
    %get3A_108 = tpu.vector_load %arg7[%get3A_107] {strides = array<i32>} : memref<416xi32, #tpu.memory_space<vmem>>, vector<16xi32>,
    %get3A_109 = arith.constant 320 : index
    %get3A_110 = tpu.vector_load %arg6[%get3A_109] {strides = array<i32>} : memref<13312xi32, #tpu.memory_space<vmem>>, vector<16xi32>,
    %add3A_111 = arith.addi %get3A_108, %get3A_110 : vector<16xi32>
    tpu.vector_store_idx %arg8[%add3A_111], %broadcast_in_dim3A_7 : memref<41600xf32, #tpu.memory_space<vmem>>[vector<16xi32>], vector<16xf32>,
    %get3A_112 = arith.constant 336 : index
    %get3A_113 = tpu.vector_load %arg7[%get3A_112] {strides = array<i32>} : memref<416xi32, #tpu.memory_space<vmem>>, vector<16xi32>,
    %get3A_114 = arith.constant 336 : index
    %get3A_115 = tpu.vector_load %arg6[%get3A_114] {strides = array<i32>} : memref<13312xi32, #tpu.memory_space<vmem>>, vector<16xi32>,
    %add3A_116 = arith.addi %get3A_113, %get3A_115 : vector<16xi32>
    tpu.vector_store_idx %arg8[%add3A_116], %broadcast_in_dim3A_7 : memref<41600xf32, #tpu.memory_space<vmem>>[vector<16xi32>], vector<16xf32>,
    %get3A_117 = arith.constant 352 : index
    %get3A_118 = tpu.vector_load %arg7[%get3A_117] {strides = array<i32>} : memref<416xi32, #tpu.memory_space<vmem>>, vector<16xi32>,
    %get3A_119 = arith.constant 352 : index
    %get3A_120 = tpu.vector_load %arg6[%get3A_119] {strides = array<i32>} : memref<13312xi32, #tpu.memory_space<vmem>>, vector<16xi32>,
    %add3A_121 = arith.addi %get3A_118, %get3A_120 : vector<16xi32>
    tpu.vector_store_idx %arg8[%add3A_121], %broadcast_in_dim3A_7 : memref<41600xf32, #tpu.memory_space<vmem>>[vector<16xi32>], vector<16xf32>,
    %get3A_122 = arith.constant 368 : index
    %get3A_123 = tpu.vector_load %arg7[%get3A_122] {strides = array<i32>} : memref<416xi32, #tpu.memory_space<vmem>>, vector<16xi32>,
    %get3A_124 = arith.constant 368 : index
    %get3A_125 = tpu.vector_load %arg6[%get3A_124] {strides = array<i32>} : memref<13312xi32, #tpu.memory_space<vmem>>, vector<16xi32>,
    %add3A_126 = arith.addi %get3A_123, %get3A_125 : vector<16xi32>
    tpu.vector_store_idx %arg8[%add3A_126], %broadcast_in_dim3A_7 : memref<41600xf32, #tpu.memory_space<vmem>>[vector<16xi32>], vector<16xf32>,
    %get3A_127 = arith.constant 384 : index
    %get3A_128 = tpu.vector_load %arg7[%get3A_127] {strides = array<i32>} : memref<416xi32, #tpu.memory_space<vmem>>, vector<16xi32>,
    %get3A_129 = arith.constant 384 : index
    %get3A_130 = tpu.vector_load %arg6[%get3A_129] {strides = array<i32>} : memref<13312xi32, #tpu.memory_space<vmem>>, vector<16xi32>,
    %add3A_131 = arith.addi %get3A_128, %get3A_130 : vector<16xi32>
    tpu.vector_store_idx %arg8[%add3A_131], %broadcast_in_dim3A_7 : memref<41600xf32, #tpu.memory_space<vmem>>[vector<16xi32>], vector<16xf32>,
    %get3A_132 = arith.constant 400 : index
    %get3A_133 = tpu.vector_load %arg7[%get3A_132] {strides = array<i32>} : memref<416xi32, #tpu.memory_space<vmem>>, vector<16xi32>,
    %get3A_134 = arith.constant 400 : index
    %get3A_135 = tpu.vector_load %arg6[%get3A_134] {strides = array<i32>} : memref<13312xi32, #tpu.memory_space<vmem>>, vector<16xi32>,
    %add3A_136 = arith.addi %get3A_133, %get3A_135 : vector<16xi32>
    tpu.vector_store_idx %arg8[%add3A_136], %broadcast_in_dim3A_7 : memref<41600xf32, #tpu.memory_space<vmem>>[vector<16xi32>], vector<16xf32>,
    %add3A_137 = arith.constant 0 : i32
    %add3A_138 = arith.addi %mul3A_2, %add3A_137 : i32
    %dma_start3A_139 = tpu.memref_slice %arg5[%add3A_138] : memref<42598400xf32, #tpu.memory_space<hbm>> -> memref<41600xf32, #tpu.memory_space<hbm>>
    %dma_start3A_140 = tpu.memref_slice %arg5[%add3A_138] : memref<42598400xf32, #tpu.memory_space<hbm>> -> memref<41600xf32, #tpu.memory_space<hbm>>
    tpu.enqueue_dma source(%arg8 : memref<41600xf32, #tpu.memory_space<vmem>>) target(%dma_start3A_140 : memref<41600xf32, #tpu.memory_space<hbm>>) target_semaphore(%arg11 : memref<!tpu.dma_semaphore, #tpu.memory_space<semaphore_mem>>)
    %broadcast_in_dim3A_141 = arith.constant 1.000000e+00 : f32
    %broadcast_in_dim3A_142 = vector.broadcast %broadcast_in_dim3A_141 : f32 to vector<16xf32>
    %get3A_143 = arith.constant 0 : index
    %get3A_144 = tpu.vector_load %arg7[%get3A_143] {strides = array<i32>} : memref<416xi32, #tpu.memory_space<vmem>>, vector<16xi32>,
    %get3A_145 = arith.constant 416 : index
    %get3A_146 = tpu.vector_load %arg6[%get3A_145] {strides = array<i32>} : memref<13312xi32, #tpu.memory_space<vmem>>, vector<16xi32>,
    %add3A_147 = arith.addi %get3A_144, %get3A_146 : vector<16xi32>
    tpu.vector_store_idx %arg9[%add3A_147], %broadcast_in_dim3A_142 : memref<41600xf32, #tpu.memory_space<vmem>>[vector<16xi32>], vector<16xf32>,
    %get3A_148 = arith.constant 16 : index
    %get3A_149 = tpu.vector_load %arg7[%get3A_148] {strides = array<i32>} : memref<416xi32, #tpu.memory_space<vmem>>, vector<16xi32>,
    %get3A_150 = arith.constant 432 : index
    %get3A_151 = tpu.vector_load %arg6[%get3A_150] {strides = array<i32>} : memref<13312xi32, #tpu.memory_space<vmem>>, vector<16xi32>,
    %add3A_152 = arith.addi %get3A_149, %get3A_151 : vector<16xi32>
    tpu.vector_store_idx %arg9[%add3A_152], %broadcast_in_dim3A_142 : memref<41600xf32, #tpu.memory_space<vmem>>[vector<16xi32>], vector<16xf32>,
    %get3A_153 = arith.constant 32 : index
    %get3A_154 = tpu.vector_load %arg7[%get3A_153] {strides = array<i32>} : memref<416xi32, #tpu.memory_space<vmem>>, vector<16xi32>,
    %get3A_155 = arith.constant 448 : index
    %get3A_156 = tpu.vector_load %arg6[%get3A_155] {strides = array<i32>} : memref<13312xi32, #tpu.memory_space<vmem>>, vector<16xi32>,
    %add3A_157 = arith.addi %get3A_154, %get3A_156 : vector<16xi32>
    tpu.vector_store_idx %arg9[%add3A_157], %broadcast_in_dim3A_142 : memref<41600xf32, #tpu.memory_space<vmem>>[vector<16xi32>], vector<16xf32>,
    %get3A_158 = arith.constant 48 : index
    %get3A_159 = tpu.vector_load %arg7[%get3A_158] {strides = array<i32>} : memref<416xi32, #tpu.memory_space<vmem>>, vector<16xi32>,
    %get3A_160 = arith.constant 464 : index
    %get3A_161 = tpu.vector_load %arg6[%get3A_160] {strides = array<i32>} : memref<13312xi32, #tpu.memory_space<vmem>>, vector<16xi32>,
    %add3A_162 = arith.addi %get3A_159, %get3A_161 : vector<16xi32>
    tpu.vector_store_idx %arg9[%add3A_162], %broadcast_in_dim3A_142 : memref<41600xf32, #tpu.memory_space<vmem>>[vector<16xi32>], vector<16xf32>,
    %get3A_163 = arith.constant 64 : index
    %get3A_164 = tpu.vector_load %arg7[%get3A_163] {strides = array<i32>} : memref<416xi32, #tpu.memory_space<vmem>>, vector<16xi32>,
    %get3A_165 = arith.constant 480 : index
    %get3A_166 = tpu.vector_load %arg6[%get3A_165] {strides = array<i32>} : memref<13312xi32, #tpu.memory_space<vmem>>, vector<16xi32>,
    %add3A_167 = arith.addi %get3A_164, %get3A_166 : vector<16xi32>
    tpu.vector_store_idx %arg9[%add3A_167], %broadcast_in_dim3A_142 : memref<41600xf32, #tpu.memory_space<vmem>>[vector<16xi32>], vector<16xf32>,
    %get3A_168 = arith.constant 80 : index
    %get3A_169 = tpu.vector_load %arg7[%get3A_168] {strides = array<i32>} : memref<416xi32, #tpu.memory_space<vmem>>, vector<16xi32>,
    %get3A_170 = arith.constant 496 : index
    %get3A_171 = tpu.vector_load %arg6[%get3A_170] {strides = array<i32>} : memref<13312xi32, #tpu.memory_space<vmem>>, vector<16xi32>,
    %add3A_172 = arith.addi %get3A_169, %get3A_171 : vector<16xi32>
    tpu.vector_store_idx %arg9[%add3A_172], %broadcast_in_dim3A_142 : memref<41600xf32, #tpu.memory_space<vmem>>[vector<16xi32>], vector<16xf32>,
    %get3A_173 = arith.constant 96 : index
    %get3A_174 = tpu.vector_load %arg7[%get3A_173] {strides = array<i32>} : memref<416xi32, #tpu.memory_space<vmem>>, vector<16xi32>,
    %get3A_175 = arith.constant 512 : index
    %get3A_176 = tpu.vector_load %arg6[%get3A_175] {strides = array<i32>} : memref<13312xi32, #tpu.memory_space<vmem>>, vector<16xi32>,
    %add3A_177 = arith.addi %get3A_174, %get3A_176 : vector<16xi32>
    tpu.vector_store_idx %arg9[%add3A_177], %broadcast_in_dim3A_142 : memref<41600xf32, #tpu.memory_space<vmem>>[vector<16xi32>], vector<16xf32>,
    %get3A_178 = arith.constant 112 : index
    %get3A_179 = tpu.vector_load %arg7[%get3A_178] {strides = array<i32>} : memref<416xi32, #tpu.memory_space<vmem>>, vector<16xi32>,
    %get3A_180 = arith.constant 528 : index
    %get3A_181 = tpu.vector_load %arg6[%get3A_180] {strides = array<i32>} : memref<13312xi32, #tpu.memory_space<vmem>>, vector<16xi32>,
    %add3A_182 = arith.addi %get3A_179, %get3A_181 : vector<16xi32>
    tpu.vector_store_idx %arg9[%add3A_182], %broadcast_in_dim3A_142 : memref<41600xf32, #tpu.memory_space<vmem>>[vector<16xi32>], vector<16xf32>,
    %get3A_183 = arith.constant 128 : index
    %get3A_184 = tpu.vector_load %arg7[%get3A_183] {strides = array<i32>} : memref<416xi32, #tpu.memory_space<vmem>>, vector<16xi32>,
    %get3A_185 = arith.constant 544 : index
    %get3A_186 = tpu.vector_load %arg6[%get3A_185] {strides = array<i32>} : memref<13312xi32, #tpu.memory_space<vmem>>, vector<16xi32>,
    %add3A_187 = arith.addi %get3A_184, %get3A_186 : vector<16xi32>
    tpu.vector_store_idx %arg9[%add3A_187], %broadcast_in_dim3A_142 : memref<41600xf32, #tpu.memory_space<vmem>>[vector<16xi32>], vector<16xf32>,
    %get3A_188 = arith.constant 144 : index
    %get3A_189 = tpu.vector_load %arg7[%get3A_188] {strides = array<i32>} : memref<416xi32, #tpu.memory_space<vmem>>, vector<16xi32>,
    %get3A_190 = arith.constant 560 : index
    %get3A_191 = tpu.vector_load %arg6[%get3A_190] {strides = array<i32>} : memref<13312xi32, #tpu.memory_space<vmem>>, vector<16xi32>,
    %add3A_192 = arith.addi %get3A_189, %get3A_191 : vector<16xi32>
    tpu.vector_store_idx %arg9[%add3A_192], %broadcast_in_dim3A_142 : memref<41600xf32, #tpu.memory_space<vmem>>[vector<16xi32>], vector<16xf32>,
    %get3A_193 = arith.constant 160 : index
    %get3A_194 = tpu.vector_load %arg7[%get3A_193] {strides = array<i32>} : memref<416xi32, #tpu.memory_space<vmem>>, vector<16xi32>,
    %get3A_195 = arith.constant 576 : index
    %get3A_196 = tpu.vector_load %arg6[%get3A_195] {strides = array<i32>} : memref<13312xi32, #tpu.memory_space<vmem>>, vector<16xi32>,
    %add3A_197 = arith.addi %get3A_194, %get3A_196 : vector<16xi32>
    tpu.vector_store_idx %arg9[%add3A_197], %broadcast_in_dim3A_142 : memref<41600xf32, #tpu.memory_space<vmem>>[vector<16xi32>], vector<16xf32>,
    %get3A_198 = arith.constant 176 : index
    %get3A_199 = tpu.vector_load %arg7[%get3A_198] {strides = array<i32>} : memref<416xi32, #tpu.memory_space<vmem>>, vector<16xi32>,
    %get3A_200 = arith.constant 592 : index
    %get3A_201 = tpu.vector_load %arg6[%get3A_200] {strides = array<i32>} : memref<13312xi32, #tpu.memory_space<vmem>>, vector<16xi32>,
    %add3A_202 = arith.addi %get3A_199, %get3A_201 : vector<16xi32>
    tpu.vector_store_idx %arg9[%add3A_202], %broadcast_in_dim3A_142 : memref<41600xf32, #tpu.memory_space<vmem>>[vector<16xi32>], vector<16xf32>,
    %get3A_203 = arith.constant 192 : index
    %get3A_204 = tpu.vector_load %arg7[%get3A_203] {strides = array<i32>} : memref<416xi32, #tpu.memory_space<vmem>>, vector<16xi32>,
    %get3A_205 = arith.constant 608 : index
    %get3A_206 = tpu.vector_load %arg6[%get3A_205] {strides = array<i32>} : memref<13312xi32, #tpu.memory_space<vmem>>, vector<16xi32>,
    %add3A_207 = arith.addi %get3A_204, %get3A_206 : vector<16xi32>
    tpu.vector_store_idx %arg9[%add3A_207], %broadcast_in_dim3A_142 : memref<41600xf32, #tpu.memory_space<vmem>>[vector<16xi32>], vector<16xf32>,
    %get3A_208 = arith.constant 208 : index
    %get3A_209 = tpu.vector_load %arg7[%get3A_208] {strides = array<i32>} : memref<416xi32, #tpu.memory_space<vmem>>, vector<16xi32>,
    %get3A_210 = arith.constant 624 : index
    %get3A_211 = tpu.vector_load %arg6[%get3A_210] {strides = array<i32>} : memref<13312xi32, #tpu.memory_space<vmem>>, vector<16xi32>,
    %add3A_212 = arith.addi %get3A_209, %get3A_211 : vector<16xi32>
    tpu.vector_store_idx %arg9[%add3A_212], %broadcast_in_dim3A_142 : memref<41600xf32, #tpu.memory_space<vmem>>[vector<16xi32>], vector<16xf32>,
    %get3A_213 = arith.constant 224 : index
    %get3A_214 = tpu.vector_load %arg7[%get3A_213] {strides = array<i32>} : memref<416xi32, #tpu.memory_space<vmem>>, vector<16xi32>,
    %get3A_215 = arith.constant 640 : index
    %get3A_216 = tpu.vector_load %arg6[%get3A_215] {strides = array<i32>} : memref<13312xi32, #tpu.memory_space<vmem>>, vector<16xi32>,
    %add3A_217 = arith.addi %get3A_214, %get3A_216 : vector<16xi32>
    tpu.vector_store_idx %arg9[%add3A_217], %broadcast_in_dim3A_142 : memref<41600xf32, #tpu.memory_space<vmem>>[vector<16xi32>], vector<16xf32>,
    %get3A_218 = arith.constant 240 : index
    %get3A_219 = tpu.vector_load %arg7[%get3A_218] {strides = array<i32>} : memref<416xi32, #tpu.memory_space<vmem>>, vector<16xi32>,
    %get3A_220 = arith.constant 656 : index
    %get3A_221 = tpu.vector_load %arg6[%get3A_220] {strides = array<i32>} : memref<13312xi32, #tpu.memory_space<vmem>>, vector<16xi32>,
    %add3A_222 = arith.addi %get3A_219, %get3A_221 : vector<16xi32>
    tpu.vector_store_idx %arg9[%add3A_222], %broadcast_in_dim3A_142 : memref<41600xf32, #tpu.memory_space<vmem>>[vector<16xi32>], vector<16xf32>,
    %get3A_223 = arith.constant 256 : index
    %get3A_224 = tpu.vector_load %arg7[%get3A_223] {strides = array<i32>} : memref<416xi32, #tpu.memory_space<vmem>>, vector<16xi32>,
    %get3A_225 = arith.constant 672 : index
    %get3A_226 = tpu.vector_load %arg6[%get3A_225] {strides = array<i32>} : memref<13312xi32, #tpu.memory_space<vmem>>, vector<16xi32>,
    %add3A_227 = arith.addi %get3A_224, %get3A_226 : vector<16xi32>
    tpu.vector_store_idx %arg9[%add3A_227], %broadcast_in_dim3A_142 : memref<41600xf32, #tpu.memory_space<vmem>>[vector<16xi32>], vector<16xf32>,
    %get3A_228 = arith.constant 272 : index
    %get3A_229 = tpu.vector_load %arg7[%get3A_228] {strides = array<i32>} : memref<416xi32, #tpu.memory_space<vmem>>, vector<16xi32>,
    %get3A_230 = arith.constant 688 : index
    %get3A_231 = tpu.vector_load %arg6[%get3A_230] {strides = array<i32>} : memref<13312xi32, #tpu.memory_space<vmem>>, vector<16xi32>,
    %add3A_232 = arith.addi %get3A_229, %get3A_231 : vector<16xi32>
    tpu.vector_store_idx %arg9[%add3A_232], %broadcast_in_dim3A_142 : memref<41600xf32, #tpu.memory_space<vmem>>[vector<16xi32>], vector<16xf32>,
    %get3A_233 = arith.constant 288 : index
    %get3A_234 = tpu.vector_load %arg7[%get3A_233] {strides = array<i32>} : memref<416xi32, #tpu.memory_space<vmem>>, vector<16xi32>,
    %get3A_235 = arith.constant 704 : index
    %get3A_236 = tpu.vector_load %arg6[%get3A_235] {strides = array<i32>} : memref<13312xi32, #tpu.memory_space<vmem>>, vector<16xi32>,
    %add3A_237 = arith.addi %get3A_234, %get3A_236 : vector<16xi32>
    tpu.vector_store_idx %arg9[%add3A_237], %broadcast_in_dim3A_142 : memref<41600xf32, #tpu.memory_space<vmem>>[vector<16xi32>], vector<16xf32>,
    %get3A_238 = arith.constant 304 : index
    %get3A_239 = tpu.vector_load %arg7[%get3A_238] {strides = array<i32>} : memref<416xi32, #tpu.memory_space<vmem>>, vector<16xi32>,
    %get3A_240 = arith.constant 720 : index
    %get3A_241 = tpu.vector_load %arg6[%get3A_240] {strides = array<i32>} : memref<13312xi32, #tpu.memory_space<vmem>>, vector<16xi32>,
    %add3A_242 = arith.addi %get3A_239, %get3A_241 : vector<16xi32>
    tpu.vector_store_idx %arg9[%add3A_242], %broadcast_in_dim3A_142 : memref<41600xf32, #tpu.memory_space<vmem>>[vector<16xi32>], vector<16xf32>,
    %get3A_243 = arith.constant 320 : index
    %get3A_244 = tpu.vector_load %arg7[%get3A_243] {strides = array<i32>} : memref<416xi32, #tpu.memory_space<vmem>>, vector<16xi32>,
    %get3A_245 = arith.constant 736 : index
    %get3A_246 = tpu.vector_load %arg6[%get3A_245] {strides = array<i32>} : memref<13312xi32, #tpu.memory_space<vmem>>, vector<16xi32>,
    %add3A_247 = arith.addi %get3A_244, %get3A_246 : vector<16xi32>
    tpu.vector_store_idx %arg9[%add3A_247], %broadcast_in_dim3A_142 : memref<41600xf32, #tpu.memory_space<vmem>>[vector<16xi32>], vector<16xf32>,
    %get3A_248 = arith.constant 336 : index
    %get3A_249 = tpu.vector_load %arg7[%get3A_248] {strides = array<i32>} : memref<416xi32, #tpu.memory_space<vmem>>, vector<16xi32>,
    %get3A_250 = arith.constant 752 : index
    %get3A_251 = tpu.vector_load %arg6[%get3A_250] {strides = array<i32>} : memref<13312xi32, #tpu.memory_space<vmem>>, vector<16xi32>,
    %add3A_252 = arith.addi %get3A_249, %get3A_251 : vector<16xi32>
    tpu.vector_store_idx %arg9[%add3A_252], %broadcast_in_dim3A_142 : memref<41600xf32, #tpu.memory_space<vmem>>[vector<16xi32>], vector<16xf32>,
    %get3A_253 = arith.constant 352 : index
    %get3A_254 = tpu.vector_load %arg7[%get3A_253] {strides = array<i32>} : memref<416xi32, #tpu.memory_space<vmem>>, vector<16xi32>,
    %get3A_255 = arith.constant 768 : index
    %get3A_256 = tpu.vector_load %arg6[%get3A_255] {strides = array<i32>} : memref<13312xi32, #tpu.memory_space<vmem>>, vector<16xi32>,
    %add3A_257 = arith.addi %get3A_254, %get3A_256 : vector<16xi32>
    tpu.vector_store_idx %arg9[%add3A_257], %broadcast_in_dim3A_142 : memref<41600xf32, #tpu.memory_space<vmem>>[vector<16xi32>], vector<16xf32>,
    %get3A_258 = arith.constant 368 : index
    %get3A_259 = tpu.vector_load %arg7[%get3A_258] {strides = array<i32>} : memref<416xi32, #tpu.memory_space<vmem>>, vector<16xi32>,
    %get3A_260 = arith.constant 784 : index
    %get3A_261 = tpu.vector_load %arg6[%get3A_260] {strides = array<i32>} : memref<13312xi32, #tpu.memory_space<vmem>>, vector<16xi32>,
    %add3A_262 = arith.addi %get3A_259, %get3A_261 : vector<16xi32>
    tpu.vector_store_idx %arg9[%add3A_262], %broadcast_in_dim3A_142 : memref<41600xf32, #tpu.memory_space<vmem>>[vector<16xi32>], vector<16xf32>,
    %get3A_263 = arith.constant 384 : index
    %get3A_264 = tpu.vector_load %arg7[%get3A_263] {strides = array<i32>} : memref<416xi32, #tpu.memory_space<vmem>>, vector<16xi32>,
    %get3A_265 = arith.constant 800 : index
    %get3A_266 = tpu.vector_load %arg6[%get3A_265] {strides = array<i32>} : memref<13312xi32, #tpu.memory_space<vmem>>, vector<16xi32>,
    %add3A_267 = arith.addi %get3A_264, %get3A_266 : vector<16xi32>
    tpu.vector_store_idx %arg9[%add3A_267], %broadcast_in_dim3A_142 : memref<41600xf32, #tpu.memory_space<vmem>>[vector<16xi32>], vector<16xf32>,
    %get3A_268 = arith.constant 400 : index
    %get3A_269 = tpu.vector_load %arg7[%get3A_268] {strides = array<i32>} : memref<416xi32, #tpu.memory_space<vmem>>, vector<16xi32>,
    %get3A_270 = arith.constant 816 : index
    %get3A_271 = tpu.vector_load %arg6[%get3A_270] {strides = array<i32>} : memref<13312xi32, #tpu.memory_space<vmem>>, vector<16xi32>,
    %add3A_272 = arith.addi %get3A_269, %get3A_271 : vector<16xi32>
    tpu.vector_store_idx %arg9[%add3A_272], %broadcast_in_dim3A_142 : memref<41600xf32, #tpu.memory_space<vmem>>[vector<16xi32>], vector<16xf32>,
    %add3A_273 = arith.constant 41600 : i32
    %add3A_274 = arith.addi %mul3A_2, %add3A_273 : i32
    %dma_start3A_275 = tpu.memref_slice %arg5[%add3A_274] : memref<42598400xf32, #tpu.memory_space<hbm>> -> memref<41600xf32, #tpu.memory_space<hbm>>
    %dma_start3A_276 = tpu.memref_slice %arg5[%add3A_274] : memref<42598400xf32, #tpu.memory_space<hbm>> -> memref<41600xf32, #tpu.memory_space<hbm>>
    tpu.enqueue_dma source(%arg9 : memref<41600xf32, #tpu.memory_space<vmem>>) target(%dma_start3A_276 : memref<41600xf32, #tpu.memory_space<hbm>>) target_semaphore(%arg12 : memref<!tpu.dma_semaphore, #tpu.memory_space<semaphore_mem>>)
    %scan3A = arith.constant 0 : i32
    %scan3A_277 = arith.constant 1 : i32
    %scan3A_278 = arith.constant 15 : i32
    %scan3A_279 = arith.addi %scan3A_277, %scan3A_278 : i32
    %scan3A_280 = arith.constant 1 : i32
    scf.for %scan3A_286 = %scan3A_277 to %scan3A_279 step %scan3A_280  : i32 {
      %mul3A_287 = arith.constant 2 : i32
      %mul3A_288 = arith.muli %scan3A_286, %mul3A_287 : i32
      %add3A_289 = arith.constant 0 : i32
      %add3A_290 = arith.addi %mul3A_288, %add3A_289 : i32
      %dma_wait3A_291 = tpu.memref_slice %arg5[%mul3A_2] : memref<42598400xf32, #tpu.memory_space<hbm>> -> memref<41600xf32, #tpu.memory_space<hbm>>
      %dma_wait3A_292 = tpu.memref_slice %arg5[%mul3A_2] : memref<42598400xf32, #tpu.memory_space<hbm>> -> memref<41600xf32, #tpu.memory_space<hbm>>
      tpu.wait_dma2 semaphore(%arg11 : memref<!tpu.dma_semaphore, #tpu.memory_space<semaphore_mem>>) src(%arg8 : memref<41600xf32, #tpu.memory_space<vmem>>) dst(%dma_wait3A_292 : memref<41600xf32, #tpu.memory_space<hbm>>)
      %sub3A = arith.constant 2 : i32
      %sub3A_293 = arith.subi %add3A_290, %sub3A : i32
      %mul3A_294 = arith.constant 416 : i32
      %mul3A_295 = arith.muli %sub3A_293, %mul3A_294 : i32
      %broadcast_in_dim3A_296 = arith.constant 0.000000e+00 : f32
      %broadcast_in_dim3A_297 = vector.broadcast %broadcast_in_dim3A_296 : f32 to vector<16xf32>
      %get3A_298 = arith.constant 0 : index
      %get3A_299 = tpu.vector_load %arg7[%get3A_298] {strides = array<i32>} : memref<416xi32, #tpu.memory_space<vmem>>, vector<16xi32>,
      %add3A_300 = arith.constant 0 : i32
      %add3A_301 = arith.addi %mul3A_295, %add3A_300 : i32
      %get3A_302 = arith.index_cast %add3A_301 : i32 to index
      %get3A_303 = tpu.vector_load %arg6[%get3A_302] {strides = array<i32>} : memref<13312xi32, #tpu.memory_space<vmem>>, vector<16xi32>,
      %add3A_304 = arith.addi %get3A_299, %get3A_303 : vector<16xi32>
      tpu.vector_store_idx %arg8[%add3A_304], %broadcast_in_dim3A_297 : memref<41600xf32, #tpu.memory_space<vmem>>[vector<16xi32>], vector<16xf32>,
      %get3A_305 = arith.constant 16 : index
      %get3A_306 = tpu.vector_load %arg7[%get3A_305] {strides = array<i32>} : memref<416xi32, #tpu.memory_space<vmem>>, vector<16xi32>,
      %add3A_307 = arith.constant 16 : i32
      %add3A_308 = arith.addi %mul3A_295, %add3A_307 : i32
      %get3A_309 = arith.index_cast %add3A_308 : i32 to index
      %get3A_310 = tpu.vector_load %arg6[%get3A_309] {strides = array<i32>} : memref<13312xi32, #tpu.memory_space<vmem>>, vector<16xi32>,
      %add3A_311 = arith.addi %get3A_306, %get3A_310 : vector<16xi32>
      tpu.vector_store_idx %arg8[%add3A_311], %broadcast_in_dim3A_297 : memref<41600xf32, #tpu.memory_space<vmem>>[vector<16xi32>], vector<16xf32>,
      %get3A_312 = arith.constant 32 : index
      %get3A_313 = tpu.vector_load %arg7[%get3A_312] {strides = array<i32>} : memref<416xi32, #tpu.memory_space<vmem>>, vector<16xi32>,
      %add3A_314 = arith.constant 32 : i32
      %add3A_315 = arith.addi %mul3A_295, %add3A_314 : i32
      %get3A_316 = arith.index_cast %add3A_315 : i32 to index
      %get3A_317 = tpu.vector_load %arg6[%get3A_316] {strides = array<i32>} : memref<13312xi32, #tpu.memory_space<vmem>>, vector<16xi32>,
      %add3A_318 = arith.addi %get3A_313, %get3A_317 : vector<16xi32>
      tpu.vector_store_idx %arg8[%add3A_318], %broadcast_in_dim3A_297 : memref<41600xf32, #tpu.memory_space<vmem>>[vector<16xi32>], vector<16xf32>,
      %get3A_319 = arith.constant 48 : index
      %get3A_320 = tpu.vector_load %arg7[%get3A_319] {strides = array<i32>} : memref<416xi32, #tpu.memory_space<vmem>>, vector<16xi32>,
      %add3A_321 = arith.constant 48 : i32
      %add3A_322 = arith.addi %mul3A_295, %add3A_321 : i32
      %get3A_323 = arith.index_cast %add3A_322 : i32 to index
      %get3A_324 = tpu.vector_load %arg6[%get3A_323] {strides = array<i32>} : memref<13312xi32, #tpu.memory_space<vmem>>, vector<16xi32>,
      %add3A_325 = arith.addi %get3A_320, %get3A_324 : vector<16xi32>
      tpu.vector_store_idx %arg8[%add3A_325], %broadcast_in_dim3A_297 : memref<41600xf32, #tpu.memory_space<vmem>>[vector<16xi32>], vector<16xf32>,
      %get3A_326 = arith.constant 64 : index
      %get3A_327 = tpu.vector_load %arg7[%get3A_326] {strides = array<i32>} : memref<416xi32, #tpu.memory_space<vmem>>, vector<16xi32>,
      %add3A_328 = arith.constant 64 : i32
      %add3A_329 = arith.addi %mul3A_295, %add3A_328 : i32
      %get3A_330 = arith.index_cast %add3A_329 : i32 to index
      %get3A_331 = tpu.vector_load %arg6[%get3A_330] {strides = array<i32>} : memref<13312xi32, #tpu.memory_space<vmem>>, vector<16xi32>,
      %add3A_332 = arith.addi %get3A_327, %get3A_331 : vector<16xi32>
      tpu.vector_store_idx %arg8[%add3A_332], %broadcast_in_dim3A_297 : memref<41600xf32, #tpu.memory_space<vmem>>[vector<16xi32>], vector<16xf32>,
      %get3A_333 = arith.constant 80 : index
      %get3A_334 = tpu.vector_load %arg7[%get3A_333] {strides = array<i32>} : memref<416xi32, #tpu.memory_space<vmem>>, vector<16xi32>,
      %add3A_335 = arith.constant 80 : i32
      %add3A_336 = arith.addi %mul3A_295, %add3A_335 : i32
      %get3A_337 = arith.index_cast %add3A_336 : i32 to index
      %get3A_338 = tpu.vector_load %arg6[%get3A_337] {strides = array<i32>} : memref<13312xi32, #tpu.memory_space<vmem>>, vector<16xi32>,
      %add3A_339 = arith.addi %get3A_334, %get3A_338 : vector<16xi32>
      tpu.vector_store_idx %arg8[%add3A_339], %broadcast_in_dim3A_297 : memref<41600xf32, #tpu.memory_space<vmem>>[vector<16xi32>], vector<16xf32>,
      %get3A_340 = arith.constant 96 : index
      %get3A_341 = tpu.vector_load %arg7[%get3A_340] {strides = array<i32>} : memref<416xi32, #tpu.memory_space<vmem>>, vector<16xi32>,
      %add3A_342 = arith.constant 96 : i32
      %add3A_343 = arith.addi %mul3A_295, %add3A_342 : i32
      %get3A_344 = arith.index_cast %add3A_343 : i32 to index
      %get3A_345 = tpu.vector_load %arg6[%get3A_344] {strides = array<i32>} : memref<13312xi32, #tpu.memory_space<vmem>>, vector<16xi32>,
      %add3A_346 = arith.addi %get3A_341, %get3A_345 : vector<16xi32>
      tpu.vector_store_idx %arg8[%add3A_346], %broadcast_in_dim3A_297 : memref<41600xf32, #tpu.memory_space<vmem>>[vector<16xi32>], vector<16xf32>,
      %get3A_347 = arith.constant 112 : index
      %get3A_348 = tpu.vector_load %arg7[%get3A_347] {strides = array<i32>} : memref<416xi32, #tpu.memory_space<vmem>>, vector<16xi32>,
      %add3A_349 = arith.constant 112 : i32
      %add3A_350 = arith.addi %mul3A_295, %add3A_349 : i32
      %get3A_351 = arith.index_cast %add3A_350 : i32 to index
      %get3A_352 = tpu.vector_load %arg6[%get3A_351] {strides = array<i32>} : memref<13312xi32, #tpu.memory_space<vmem>>, vector<16xi32>,
      %add3A_353 = arith.addi %get3A_348, %get3A_352 : vector<16xi32>
      tpu.vector_store_idx %arg8[%add3A_353], %broadcast_in_dim3A_297 : memref<41600xf32, #tpu.memory_space<vmem>>[vector<16xi32>], vector<16xf32>,
      %get3A_354 = arith.constant 128 : index
      %get3A_355 = tpu.vector_load %arg7[%get3A_354] {strides = array<i32>} : memref<416xi32, #tpu.memory_space<vmem>>, vector<16xi32>,
      %add3A_356 = arith.constant 128 : i32
      %add3A_357 = arith.addi %mul3A_295, %add3A_356 : i32
      %get3A_358 = arith.index_cast %add3A_357 : i32 to index
      %get3A_359 = tpu.vector_load %arg6[%get3A_358] {strides = array<i32>} : memref<13312xi32, #tpu.memory_space<vmem>>, vector<16xi32>,
      %add3A_360 = arith.addi %get3A_355, %get3A_359 : vector<16xi32>
      tpu.vector_store_idx %arg8[%add3A_360], %broadcast_in_dim3A_297 : memref<41600xf32, #tpu.memory_space<vmem>>[vector<16xi32>], vector<16xf32>,
      %get3A_361 = arith.constant 144 : index
      %get3A_362 = tpu.vector_load %arg7[%get3A_361] {strides = array<i32>} : memref<416xi32, #tpu.memory_space<vmem>>, vector<16xi32>,
      %add3A_363 = arith.constant 144 : i32
      %add3A_364 = arith.addi %mul3A_295, %add3A_363 : i32
      %get3A_365 = arith.index_cast %add3A_364 : i32 to index
      %get3A_366 = tpu.vector_load %arg6[%get3A_365] {strides = array<i32>} : memref<13312xi32, #tpu.memory_space<vmem>>, vector<16xi32>,
      %add3A_367 = arith.addi %get3A_362, %get3A_366 : vector<16xi32>
      tpu.vector_store_idx %arg8[%add3A_367], %broadcast_in_dim3A_297 : memref<41600xf32, #tpu.memory_space<vmem>>[vector<16xi32>], vector<16xf32>,
      %get3A_368 = arith.constant 160 : index
      %get3A_369 = tpu.vector_load %arg7[%get3A_368] {strides = array<i32>} : memref<416xi32, #tpu.memory_space<vmem>>, vector<16xi32>,
      %add3A_370 = arith.constant 160 : i32
      %add3A_371 = arith.addi %mul3A_295, %add3A_370 : i32
      %get3A_372 = arith.index_cast %add3A_371 : i32 to index
      %get3A_373 = tpu.vector_load %arg6[%get3A_372] {strides = array<i32>} : memref<13312xi32, #tpu.memory_space<vmem>>, vector<16xi32>,
      %add3A_374 = arith.addi %get3A_369, %get3A_373 : vector<16xi32>
      tpu.vector_store_idx %arg8[%add3A_374], %broadcast_in_dim3A_297 : memref<41600xf32, #tpu.memory_space<vmem>>[vector<16xi32>], vector<16xf32>,
      %get3A_375 = arith.constant 176 : index
      %get3A_376 = tpu.vector_load %arg7[%get3A_375] {strides = array<i32>} : memref<416xi32, #tpu.memory_space<vmem>>, vector<16xi32>,
      %add3A_377 = arith.constant 176 : i32
      %add3A_378 = arith.addi %mul3A_295, %add3A_377 : i32
      %get3A_379 = arith.index_cast %add3A_378 : i32 to index
      %get3A_380 = tpu.vector_load %arg6[%get3A_379] {strides = array<i32>} : memref<13312xi32, #tpu.memory_space<vmem>>, vector<16xi32>,
      %add3A_381 = arith.addi %get3A_376, %get3A_380 : vector<16xi32>
      tpu.vector_store_idx %arg8[%add3A_381], %broadcast_in_dim3A_297 : memref<41600xf32, #tpu.memory_space<vmem>>[vector<16xi32>], vector<16xf32>,
      %get3A_382 = arith.constant 192 : index
      %get3A_383 = tpu.vector_load %arg7[%get3A_382] {strides = array<i32>} : memref<416xi32, #tpu.memory_space<vmem>>, vector<16xi32>,
      %add3A_384 = arith.constant 192 : i32
      %add3A_385 = arith.addi %mul3A_295, %add3A_384 : i32
      %get3A_386 = arith.index_cast %add3A_385 : i32 to index
      %get3A_387 = tpu.vector_load %arg6[%get3A_386] {strides = array<i32>} : memref<13312xi32, #tpu.memory_space<vmem>>, vector<16xi32>,
      %add3A_388 = arith.addi %get3A_383, %get3A_387 : vector<16xi32>
      tpu.vector_store_idx %arg8[%add3A_388], %broadcast_in_dim3A_297 : memref<41600xf32, #tpu.memory_space<vmem>>[vector<16xi32>], vector<16xf32>,
      %get3A_389 = arith.constant 208 : index
      %get3A_390 = tpu.vector_load %arg7[%get3A_389] {strides = array<i32>} : memref<416xi32, #tpu.memory_space<vmem>>, vector<16xi32>,
      %add3A_391 = arith.constant 208 : i32
      %add3A_392 = arith.addi %mul3A_295, %add3A_391 : i32
      %get3A_393 = arith.index_cast %add3A_392 : i32 to index
      %get3A_394 = tpu.vector_load %arg6[%get3A_393] {strides = array<i32>} : memref<13312xi32, #tpu.memory_space<vmem>>, vector<16xi32>,
      %add3A_395 = arith.addi %get3A_390, %get3A_394 : vector<16xi32>
      tpu.vector_store_idx %arg8[%add3A_395], %broadcast_in_dim3A_297 : memref<41600xf32, #tpu.memory_space<vmem>>[vector<16xi32>], vector<16xf32>,
      %get3A_396 = arith.constant 224 : index
      %get3A_397 = tpu.vector_load %arg7[%get3A_396] {strides = array<i32>} : memref<416xi32, #tpu.memory_space<vmem>>, vector<16xi32>,
      %add3A_398 = arith.constant 224 : i32
      %add3A_399 = arith.addi %mul3A_295, %add3A_398 : i32
      %get3A_400 = arith.index_cast %add3A_399 : i32 to index
      %get3A_401 = tpu.vector_load %arg6[%get3A_400] {strides = array<i32>} : memref<13312xi32, #tpu.memory_space<vmem>>, vector<16xi32>,
      %add3A_402 = arith.addi %get3A_397, %get3A_401 : vector<16xi32>
      tpu.vector_store_idx %arg8[%add3A_402], %broadcast_in_dim3A_297 : memref<41600xf32, #tpu.memory_space<vmem>>[vector<16xi32>], vector<16xf32>,
      %get3A_403 = arith.constant 240 : index
      %get3A_404 = tpu.vector_load %arg7[%get3A_403] {strides = array<i32>} : memref<416xi32, #tpu.memory_space<vmem>>, vector<16xi32>,
      %add3A_405 = arith.constant 240 : i32
      %add3A_406 = arith.addi %mul3A_295, %add3A_405 : i32
      %get3A_407 = arith.index_cast %add3A_406 : i32 to index
      %get3A_408 = tpu.vector_load %arg6[%get3A_407] {strides = array<i32>} : memref<13312xi32, #tpu.memory_space<vmem>>, vector<16xi32>,
      %add3A_409 = arith.addi %get3A_404, %get3A_408 : vector<16xi32>
      tpu.vector_store_idx %arg8[%add3A_409], %broadcast_in_dim3A_297 : memref<41600xf32, #tpu.memory_space<vmem>>[vector<16xi32>], vector<16xf32>,
      %get3A_410 = arith.constant 256 : index
      %get3A_411 = tpu.vector_load %arg7[%get3A_410] {strides = array<i32>} : memref<416xi32, #tpu.memory_space<vmem>>, vector<16xi32>,
      %add3A_412 = arith.constant 256 : i32
      %add3A_413 = arith.addi %mul3A_295, %add3A_412 : i32
      %get3A_414 = arith.index_cast %add3A_413 : i32 to index
      %get3A_415 = tpu.vector_load %arg6[%get3A_414] {strides = array<i32>} : memref<13312xi32, #tpu.memory_space<vmem>>, vector<16xi32>,
      %add3A_416 = arith.addi %get3A_411, %get3A_415 : vector<16xi32>
      tpu.vector_store_idx %arg8[%add3A_416], %broadcast_in_dim3A_297 : memref<41600xf32, #tpu.memory_space<vmem>>[vector<16xi32>], vector<16xf32>,
      %get3A_417 = arith.constant 272 : index
      %get3A_418 = tpu.vector_load %arg7[%get3A_417] {strides = array<i32>} : memref<416xi32, #tpu.memory_space<vmem>>, vector<16xi32>,
      %add3A_419 = arith.constant 272 : i32
      %add3A_420 = arith.addi %mul3A_295, %add3A_419 : i32
      %get3A_421 = arith.index_cast %add3A_420 : i32 to index
      %get3A_422 = tpu.vector_load %arg6[%get3A_421] {strides = array<i32>} : memref<13312xi32, #tpu.memory_space<vmem>>, vector<16xi32>,
      %add3A_423 = arith.addi %get3A_418, %get3A_422 : vector<16xi32>
      tpu.vector_store_idx %arg8[%add3A_423], %broadcast_in_dim3A_297 : memref<41600xf32, #tpu.memory_space<vmem>>[vector<16xi32>], vector<16xf32>,
      %get3A_424 = arith.constant 288 : index
      %get3A_425 = tpu.vector_load %arg7[%get3A_424] {strides = array<i32>} : memref<416xi32, #tpu.memory_space<vmem>>, vector<16xi32>,
      %add3A_426 = arith.constant 288 : i32
      %add3A_427 = arith.addi %mul3A_295, %add3A_426 : i32
      %get3A_428 = arith.index_cast %add3A_427 : i32 to index
      %get3A_429 = tpu.vector_load %arg6[%get3A_428] {strides = array<i32>} : memref<13312xi32, #tpu.memory_space<vmem>>, vector<16xi32>,
      %add3A_430 = arith.addi %get3A_425, %get3A_429 : vector<16xi32>
      tpu.vector_store_idx %arg8[%add3A_430], %broadcast_in_dim3A_297 : memref<41600xf32, #tpu.memory_space<vmem>>[vector<16xi32>], vector<16xf32>,
      %get3A_431 = arith.constant 304 : index
      %get3A_432 = tpu.vector_load %arg7[%get3A_431] {strides = array<i32>} : memref<416xi32, #tpu.memory_space<vmem>>, vector<16xi32>,
      %add3A_433 = arith.constant 304 : i32
      %add3A_434 = arith.addi %mul3A_295, %add3A_433 : i32
      %get3A_435 = arith.index_cast %add3A_434 : i32 to index
      %get3A_436 = tpu.vector_load %arg6[%get3A_435] {strides = array<i32>} : memref<13312xi32, #tpu.memory_space<vmem>>, vector<16xi32>,
      %add3A_437 = arith.addi %get3A_432, %get3A_436 : vector<16xi32>
      tpu.vector_store_idx %arg8[%add3A_437], %broadcast_in_dim3A_297 : memref<41600xf32, #tpu.memory_space<vmem>>[vector<16xi32>], vector<16xf32>,
      %get3A_438 = arith.constant 320 : index
      %get3A_439 = tpu.vector_load %arg7[%get3A_438] {strides = array<i32>} : memref<416xi32, #tpu.memory_space<vmem>>, vector<16xi32>,
      %add3A_440 = arith.constant 320 : i32
      %add3A_441 = arith.addi %mul3A_295, %add3A_440 : i32
      %get3A_442 = arith.index_cast %add3A_441 : i32 to index
      %get3A_443 = tpu.vector_load %arg6[%get3A_442] {strides = array<i32>} : memref<13312xi32, #tpu.memory_space<vmem>>, vector<16xi32>,
      %add3A_444 = arith.addi %get3A_439, %get3A_443 : vector<16xi32>
      tpu.vector_store_idx %arg8[%add3A_444], %broadcast_in_dim3A_297 : memref<41600xf32, #tpu.memory_space<vmem>>[vector<16xi32>], vector<16xf32>,
      %get3A_445 = arith.constant 336 : index
      %get3A_446 = tpu.vector_load %arg7[%get3A_445] {strides = array<i32>} : memref<416xi32, #tpu.memory_space<vmem>>, vector<16xi32>,
      %add3A_447 = arith.constant 336 : i32
      %add3A_448 = arith.addi %mul3A_295, %add3A_447 : i32
      %get3A_449 = arith.index_cast %add3A_448 : i32 to index
      %get3A_450 = tpu.vector_load %arg6[%get3A_449] {strides = array<i32>} : memref<13312xi32, #tpu.memory_space<vmem>>, vector<16xi32>,
      %add3A_451 = arith.addi %get3A_446, %get3A_450 : vector<16xi32>
      tpu.vector_store_idx %arg8[%add3A_451], %broadcast_in_dim3A_297 : memref<41600xf32, #tpu.memory_space<vmem>>[vector<16xi32>], vector<16xf32>,
      %get3A_452 = arith.constant 352 : index
      %get3A_453 = tpu.vector_load %arg7[%get3A_452] {strides = array<i32>} : memref<416xi32, #tpu.memory_space<vmem>>, vector<16xi32>,
      %add3A_454 = arith.constant 352 : i32
      %add3A_455 = arith.addi %mul3A_295, %add3A_454 : i32
      %get3A_456 = arith.index_cast %add3A_455 : i32 to index
      %get3A_457 = tpu.vector_load %arg6[%get3A_456] {strides = array<i32>} : memref<13312xi32, #tpu.memory_space<vmem>>, vector<16xi32>,
      %add3A_458 = arith.addi %get3A_453, %get3A_457 : vector<16xi32>
      tpu.vector_store_idx %arg8[%add3A_458], %broadcast_in_dim3A_297 : memref<41600xf32, #tpu.memory_space<vmem>>[vector<16xi32>], vector<16xf32>,
      %get3A_459 = arith.constant 368 : index
      %get3A_460 = tpu.vector_load %arg7[%get3A_459] {strides = array<i32>} : memref<416xi32, #tpu.memory_space<vmem>>, vector<16xi32>,
      %add3A_461 = arith.constant 368 : i32
      %add3A_462 = arith.addi %mul3A_295, %add3A_461 : i32
      %get3A_463 = arith.index_cast %add3A_462 : i32 to index
      %get3A_464 = tpu.vector_load %arg6[%get3A_463] {strides = array<i32>} : memref<13312xi32, #tpu.memory_space<vmem>>, vector<16xi32>,
      %add3A_465 = arith.addi %get3A_460, %get3A_464 : vector<16xi32>
      tpu.vector_store_idx %arg8[%add3A_465], %broadcast_in_dim3A_297 : memref<41600xf32, #tpu.memory_space<vmem>>[vector<16xi32>], vector<16xf32>,
      %get3A_466 = arith.constant 384 : index
      %get3A_467 = tpu.vector_load %arg7[%get3A_466] {strides = array<i32>} : memref<416xi32, #tpu.memory_space<vmem>>, vector<16xi32>,
      %add3A_468 = arith.constant 384 : i32
      %add3A_469 = arith.addi %mul3A_295, %add3A_468 : i32
      %get3A_470 = arith.index_cast %add3A_469 : i32 to index
      %get3A_471 = tpu.vector_load %arg6[%get3A_470] {strides = array<i32>} : memref<13312xi32, #tpu.memory_space<vmem>>, vector<16xi32>,
      %add3A_472 = arith.addi %get3A_467, %get3A_471 : vector<16xi32>
      tpu.vector_store_idx %arg8[%add3A_472], %broadcast_in_dim3A_297 : memref<41600xf32, #tpu.memory_space<vmem>>[vector<16xi32>], vector<16xf32>,
      %get3A_473 = arith.constant 400 : index
      %get3A_474 = tpu.vector_load %arg7[%get3A_473] {strides = array<i32>} : memref<416xi32, #tpu.memory_space<vmem>>, vector<16xi32>,
      %add3A_475 = arith.constant 400 : i32
      %add3A_476 = arith.addi %mul3A_295, %add3A_475 : i32
      %get3A_477 = arith.index_cast %add3A_476 : i32 to index
      %get3A_478 = tpu.vector_load %arg6[%get3A_477] {strides = array<i32>} : memref<13312xi32, #tpu.memory_space<vmem>>, vector<16xi32>,
      %add3A_479 = arith.addi %get3A_474, %get3A_478 : vector<16xi32>
      tpu.vector_store_idx %arg8[%add3A_479], %broadcast_in_dim3A_297 : memref<41600xf32, #tpu.memory_space<vmem>>[vector<16xi32>], vector<16xf32>,
      %mul3A_480 = arith.constant 416 : i32
      %mul3A_481 = arith.muli %add3A_290, %mul3A_480 : i32
      %broadcast_in_dim3A_482 = arith.constant 1.000000e+00 : f32
      %broadcast_in_dim3A_483 = vector.broadcast %broadcast_in_dim3A_482 : f32 to vector<16xf32>
      %get3A_484 = arith.constant 0 : index
      %get3A_485 = tpu.vector_load %arg7[%get3A_484] {strides = array<i32>} : memref<416xi32, #tpu.memory_space<vmem>>, vector<16xi32>,
      %add3A_486 = arith.constant 0 : i32
      %add3A_487 = arith.addi %mul3A_481, %add3A_486 : i32
      %get3A_488 = arith.index_cast %add3A_487 : i32 to index
      %get3A_489 = tpu.vector_load %arg6[%get3A_488] {strides = array<i32>} : memref<13312xi32, #tpu.memory_space<vmem>>, vector<16xi32>,
      %add3A_490 = arith.addi %get3A_485, %get3A_489 : vector<16xi32>
      tpu.vector_store_idx %arg8[%add3A_490], %broadcast_in_dim3A_483 : memref<41600xf32, #tpu.memory_space<vmem>>[vector<16xi32>], vector<16xf32>,
      %get3A_491 = arith.constant 16 : index
      %get3A_492 = tpu.vector_load %arg7[%get3A_491] {strides = array<i32>} : memref<416xi32, #tpu.memory_space<vmem>>, vector<16xi32>,
      %add3A_493 = arith.constant 16 : i32
      %add3A_494 = arith.addi %mul3A_481, %add3A_493 : i32
      %get3A_495 = arith.index_cast %add3A_494 : i32 to index
      %get3A_496 = tpu.vector_load %arg6[%get3A_495] {strides = array<i32>} : memref<13312xi32, #tpu.memory_space<vmem>>, vector<16xi32>,
      %add3A_497 = arith.addi %get3A_492, %get3A_496 : vector<16xi32>
      tpu.vector_store_idx %arg8[%add3A_497], %broadcast_in_dim3A_483 : memref<41600xf32, #tpu.memory_space<vmem>>[vector<16xi32>], vector<16xf32>,
      %get3A_498 = arith.constant 32 : index
      %get3A_499 = tpu.vector_load %arg7[%get3A_498] {strides = array<i32>} : memref<416xi32, #tpu.memory_space<vmem>>, vector<16xi32>,
      %add3A_500 = arith.constant 32 : i32
      %add3A_501 = arith.addi %mul3A_481, %add3A_500 : i32
      %get3A_502 = arith.index_cast %add3A_501 : i32 to index
      %get3A_503 = tpu.vector_load %arg6[%get3A_502] {strides = array<i32>} : memref<13312xi32, #tpu.memory_space<vmem>>, vector<16xi32>,
      %add3A_504 = arith.addi %get3A_499, %get3A_503 : vector<16xi32>
      tpu.vector_store_idx %arg8[%add3A_504], %broadcast_in_dim3A_483 : memref<41600xf32, #tpu.memory_space<vmem>>[vector<16xi32>], vector<16xf32>,
      %get3A_505 = arith.constant 48 : index
      %get3A_506 = tpu.vector_load %arg7[%get3A_505] {strides = array<i32>} : memref<416xi32, #tpu.memory_space<vmem>>, vector<16xi32>,
      %add3A_507 = arith.constant 48 : i32
      %add3A_508 = arith.addi %mul3A_481, %add3A_507 : i32
      %get3A_509 = arith.index_cast %add3A_508 : i32 to index
      %get3A_510 = tpu.vector_load %arg6[%get3A_509] {strides = array<i32>} : memref<13312xi32, #tpu.memory_space<vmem>>, vector<16xi32>,
      %add3A_511 = arith.addi %get3A_506, %get3A_510 : vector<16xi32>
      tpu.vector_store_idx %arg8[%add3A_511], %broadcast_in_dim3A_483 : memref<41600xf32, #tpu.memory_space<vmem>>[vector<16xi32>], vector<16xf32>,
      %get3A_512 = arith.constant 64 : index
      %get3A_513 = tpu.vector_load %arg7[%get3A_512] {strides = array<i32>} : memref<416xi32, #tpu.memory_space<vmem>>, vector<16xi32>,
      %add3A_514 = arith.constant 64 : i32
      %add3A_515 = arith.addi %mul3A_481, %add3A_514 : i32
      %get3A_516 = arith.index_cast %add3A_515 : i32 to index
      %get3A_517 = tpu.vector_load %arg6[%get3A_516] {strides = array<i32>} : memref<13312xi32, #tpu.memory_space<vmem>>, vector<16xi32>,
      %add3A_518 = arith.addi %get3A_513, %get3A_517 : vector<16xi32>
      tpu.vector_store_idx %arg8[%add3A_518], %broadcast_in_dim3A_483 : memref<41600xf32, #tpu.memory_space<vmem>>[vector<16xi32>], vector<16xf32>,
      %get3A_519 = arith.constant 80 : index
      %get3A_520 = tpu.vector_load %arg7[%get3A_519] {strides = array<i32>} : memref<416xi32, #tpu.memory_space<vmem>>, vector<16xi32>,
      %add3A_521 = arith.constant 80 : i32
      %add3A_522 = arith.addi %mul3A_481, %add3A_521 : i32
      %get3A_523 = arith.index_cast %add3A_522 : i32 to index
      %get3A_524 = tpu.vector_load %arg6[%get3A_523] {strides = array<i32>} : memref<13312xi32, #tpu.memory_space<vmem>>, vector<16xi32>,
      %add3A_525 = arith.addi %get3A_520, %get3A_524 : vector<16xi32>
      tpu.vector_store_idx %arg8[%add3A_525], %broadcast_in_dim3A_483 : memref<41600xf32, #tpu.memory_space<vmem>>[vector<16xi32>], vector<16xf32>,
      %get3A_526 = arith.constant 96 : index
      %get3A_527 = tpu.vector_load %arg7[%get3A_526] {strides = array<i32>} : memref<416xi32, #tpu.memory_space<vmem>>, vector<16xi32>,
      %add3A_528 = arith.constant 96 : i32
      %add3A_529 = arith.addi %mul3A_481, %add3A_528 : i32
      %get3A_530 = arith.index_cast %add3A_529 : i32 to index
      %get3A_531 = tpu.vector_load %arg6[%get3A_530] {strides = array<i32>} : memref<13312xi32, #tpu.memory_space<vmem>>, vector<16xi32>,
      %add3A_532 = arith.addi %get3A_527, %get3A_531 : vector<16xi32>
      tpu.vector_store_idx %arg8[%add3A_532], %broadcast_in_dim3A_483 : memref<41600xf32, #tpu.memory_space<vmem>>[vector<16xi32>], vector<16xf32>,
      %get3A_533 = arith.constant 112 : index
      %get3A_534 = tpu.vector_load %arg7[%get3A_533] {strides = array<i32>} : memref<416xi32, #tpu.memory_space<vmem>>, vector<16xi32>,
      %add3A_535 = arith.constant 112 : i32
      %add3A_536 = arith.addi %mul3A_481, %add3A_535 : i32
      %get3A_537 = arith.index_cast %add3A_536 : i32 to index
      %get3A_538 = tpu.vector_load %arg6[%get3A_537] {strides = array<i32>} : memref<13312xi32, #tpu.memory_space<vmem>>, vector<16xi32>,
      %add3A_539 = arith.addi %get3A_534, %get3A_538 : vector<16xi32>
      tpu.vector_store_idx %arg8[%add3A_539], %broadcast_in_dim3A_483 : memref<41600xf32, #tpu.memory_space<vmem>>[vector<16xi32>], vector<16xf32>,
      %get3A_540 = arith.constant 128 : index
      %get3A_541 = tpu.vector_load %arg7[%get3A_540] {strides = array<i32>} : memref<416xi32, #tpu.memory_space<vmem>>, vector<16xi32>,
      %add3A_542 = arith.constant 128 : i32
      %add3A_543 = arith.addi %mul3A_481, %add3A_542 : i32
      %get3A_544 = arith.index_cast %add3A_543 : i32 to index
      %get3A_545 = tpu.vector_load %arg6[%get3A_544] {strides = array<i32>} : memref<13312xi32, #tpu.memory_space<vmem>>, vector<16xi32>,
      %add3A_546 = arith.addi %get3A_541, %get3A_545 : vector<16xi32>
      tpu.vector_store_idx %arg8[%add3A_546], %broadcast_in_dim3A_483 : memref<41600xf32, #tpu.memory_space<vmem>>[vector<16xi32>], vector<16xf32>,
      %get3A_547 = arith.constant 144 : index
      %get3A_548 = tpu.vector_load %arg7[%get3A_547] {strides = array<i32>} : memref<416xi32, #tpu.memory_space<vmem>>, vector<16xi32>,
      %add3A_549 = arith.constant 144 : i32
      %add3A_550 = arith.addi %mul3A_481, %add3A_549 : i32
      %get3A_551 = arith.index_cast %add3A_550 : i32 to index
      %get3A_552 = tpu.vector_load %arg6[%get3A_551] {strides = array<i32>} : memref<13312xi32, #tpu.memory_space<vmem>>, vector<16xi32>,
      %add3A_553 = arith.addi %get3A_548, %get3A_552 : vector<16xi32>
      tpu.vector_store_idx %arg8[%add3A_553], %broadcast_in_dim3A_483 : memref<41600xf32, #tpu.memory_space<vmem>>[vector<16xi32>], vector<16xf32>,
      %get3A_554 = arith.constant 160 : index
      %get3A_555 = tpu.vector_load %arg7[%get3A_554] {strides = array<i32>} : memref<416xi32, #tpu.memory_space<vmem>>, vector<16xi32>,
      %add3A_556 = arith.constant 160 : i32
      %add3A_557 = arith.addi %mul3A_481, %add3A_556 : i32
      %get3A_558 = arith.index_cast %add3A_557 : i32 to index
      %get3A_559 = tpu.vector_load %arg6[%get3A_558] {strides = array<i32>} : memref<13312xi32, #tpu.memory_space<vmem>>, vector<16xi32>,
      %add3A_560 = arith.addi %get3A_555, %get3A_559 : vector<16xi32>
      tpu.vector_store_idx %arg8[%add3A_560], %broadcast_in_dim3A_483 : memref<41600xf32, #tpu.memory_space<vmem>>[vector<16xi32>], vector<16xf32>,
      %get3A_561 = arith.constant 176 : index
      %get3A_562 = tpu.vector_load %arg7[%get3A_561] {strides = array<i32>} : memref<416xi32, #tpu.memory_space<vmem>>, vector<16xi32>,
      %add3A_563 = arith.constant 176 : i32
      %add3A_564 = arith.addi %mul3A_481, %add3A_563 : i32
      %get3A_565 = arith.index_cast %add3A_564 : i32 to index
      %get3A_566 = tpu.vector_load %arg6[%get3A_565] {strides = array<i32>} : memref<13312xi32, #tpu.memory_space<vmem>>, vector<16xi32>,
      %add3A_567 = arith.addi %get3A_562, %get3A_566 : vector<16xi32>
      tpu.vector_store_idx %arg8[%add3A_567], %broadcast_in_dim3A_483 : memref<41600xf32, #tpu.memory_space<vmem>>[vector<16xi32>], vector<16xf32>,
      %get3A_568 = arith.constant 192 : index
      %get3A_569 = tpu.vector_load %arg7[%get3A_568] {strides = array<i32>} : memref<416xi32, #tpu.memory_space<vmem>>, vector<16xi32>,
      %add3A_570 = arith.constant 192 : i32
      %add3A_571 = arith.addi %mul3A_481, %add3A_570 : i32
      %get3A_572 = arith.index_cast %add3A_571 : i32 to index
      %get3A_573 = tpu.vector_load %arg6[%get3A_572] {strides = array<i32>} : memref<13312xi32, #tpu.memory_space<vmem>>, vector<16xi32>,
      %add3A_574 = arith.addi %get3A_569, %get3A_573 : vector<16xi32>
      tpu.vector_store_idx %arg8[%add3A_574], %broadcast_in_dim3A_483 : memref<41600xf32, #tpu.memory_space<vmem>>[vector<16xi32>], vector<16xf32>,
      %get3A_575 = arith.constant 208 : index
      %get3A_576 = tpu.vector_load %arg7[%get3A_575] {strides = array<i32>} : memref<416xi32, #tpu.memory_space<vmem>>, vector<16xi32>,
      %add3A_577 = arith.constant 208 : i32
      %add3A_578 = arith.addi %mul3A_481, %add3A_577 : i32
      %get3A_579 = arith.index_cast %add3A_578 : i32 to index
      %get3A_580 = tpu.vector_load %arg6[%get3A_579] {strides = array<i32>} : memref<13312xi32, #tpu.memory_space<vmem>>, vector<16xi32>,
      %add3A_581 = arith.addi %get3A_576, %get3A_580 : vector<16xi32>
      tpu.vector_store_idx %arg8[%add3A_581], %broadcast_in_dim3A_483 : memref<41600xf32, #tpu.memory_space<vmem>>[vector<16xi32>], vector<16xf32>,
      %get3A_582 = arith.constant 224 : index
      %get3A_583 = tpu.vector_load %arg7[%get3A_582] {strides = array<i32>} : memref<416xi32, #tpu.memory_space<vmem>>, vector<16xi32>,
      %add3A_584 = arith.constant 224 : i32
      %add3A_585 = arith.addi %mul3A_481, %add3A_584 : i32
      %get3A_586 = arith.index_cast %add3A_585 : i32 to index
      %get3A_587 = tpu.vector_load %arg6[%get3A_586] {strides = array<i32>} : memref<13312xi32, #tpu.memory_space<vmem>>, vector<16xi32>,
      %add3A_588 = arith.addi %get3A_583, %get3A_587 : vector<16xi32>
      tpu.vector_store_idx %arg8[%add3A_588], %broadcast_in_dim3A_483 : memref<41600xf32, #tpu.memory_space<vmem>>[vector<16xi32>], vector<16xf32>,
      %get3A_589 = arith.constant 240 : index
      %get3A_590 = tpu.vector_load %arg7[%get3A_589] {strides = array<i32>} : memref<416xi32, #tpu.memory_space<vmem>>, vector<16xi32>,
      %add3A_591 = arith.constant 240 : i32
      %add3A_592 = arith.addi %mul3A_481, %add3A_591 : i32
      %get3A_593 = arith.index_cast %add3A_592 : i32 to index
      %get3A_594 = tpu.vector_load %arg6[%get3A_593] {strides = array<i32>} : memref<13312xi32, #tpu.memory_space<vmem>>, vector<16xi32>,
      %add3A_595 = arith.addi %get3A_590, %get3A_594 : vector<16xi32>
      tpu.vector_store_idx %arg8[%add3A_595], %broadcast_in_dim3A_483 : memref<41600xf32, #tpu.memory_space<vmem>>[vector<16xi32>], vector<16xf32>,
      %get3A_596 = arith.constant 256 : index
      %get3A_597 = tpu.vector_load %arg7[%get3A_596] {strides = array<i32>} : memref<416xi32, #tpu.memory_space<vmem>>, vector<16xi32>,
      %add3A_598 = arith.constant 256 : i32
      %add3A_599 = arith.addi %mul3A_481, %add3A_598 : i32
      %get3A_600 = arith.index_cast %add3A_599 : i32 to index
      %get3A_601 = tpu.vector_load %arg6[%get3A_600] {strides = array<i32>} : memref<13312xi32, #tpu.memory_space<vmem>>, vector<16xi32>,
      %add3A_602 = arith.addi %get3A_597, %get3A_601 : vector<16xi32>
      tpu.vector_store_idx %arg8[%add3A_602], %broadcast_in_dim3A_483 : memref<41600xf32, #tpu.memory_space<vmem>>[vector<16xi32>], vector<16xf32>,
      %get3A_603 = arith.constant 272 : index
      %get3A_604 = tpu.vector_load %arg7[%get3A_603] {strides = array<i32>} : memref<416xi32, #tpu.memory_space<vmem>>, vector<16xi32>,
      %add3A_605 = arith.constant 272 : i32
      %add3A_606 = arith.addi %mul3A_481, %add3A_605 : i32
      %get3A_607 = arith.index_cast %add3A_606 : i32 to index
      %get3A_608 = tpu.vector_load %arg6[%get3A_607] {strides = array<i32>} : memref<13312xi32, #tpu.memory_space<vmem>>, vector<16xi32>,
      %add3A_609 = arith.addi %get3A_604, %get3A_608 : vector<16xi32>
      tpu.vector_store_idx %arg8[%add3A_609], %broadcast_in_dim3A_483 : memref<41600xf32, #tpu.memory_space<vmem>>[vector<16xi32>], vector<16xf32>,
      %get3A_610 = arith.constant 288 : index
      %get3A_611 = tpu.vector_load %arg7[%get3A_610] {strides = array<i32>} : memref<416xi32, #tpu.memory_space<vmem>>, vector<16xi32>,
      %add3A_612 = arith.constant 288 : i32
      %add3A_613 = arith.addi %mul3A_481, %add3A_612 : i32
      %get3A_614 = arith.index_cast %add3A_613 : i32 to index
      %get3A_615 = tpu.vector_load %arg6[%get3A_614] {strides = array<i32>} : memref<13312xi32, #tpu.memory_space<vmem>>, vector<16xi32>,
      %add3A_616 = arith.addi %get3A_611, %get3A_615 : vector<16xi32>
      tpu.vector_store_idx %arg8[%add3A_616], %broadcast_in_dim3A_483 : memref<41600xf32, #tpu.memory_space<vmem>>[vector<16xi32>], vector<16xf32>,
      %get3A_617 = arith.constant 304 : index
      %get3A_618 = tpu.vector_load %arg7[%get3A_617] {strides = array<i32>} : memref<416xi32, #tpu.memory_space<vmem>>, vector<16xi32>,
      %add3A_619 = arith.constant 304 : i32
      %add3A_620 = arith.addi %mul3A_481, %add3A_619 : i32
      %get3A_621 = arith.index_cast %add3A_620 : i32 to index
      %get3A_622 = tpu.vector_load %arg6[%get3A_621] {strides = array<i32>} : memref<13312xi32, #tpu.memory_space<vmem>>, vector<16xi32>,
      %add3A_623 = arith.addi %get3A_618, %get3A_622 : vector<16xi32>
      tpu.vector_store_idx %arg8[%add3A_623], %broadcast_in_dim3A_483 : memref<41600xf32, #tpu.memory_space<vmem>>[vector<16xi32>], vector<16xf32>,
      %get3A_624 = arith.constant 320 : index
      %get3A_625 = tpu.vector_load %arg7[%get3A_624] {strides = array<i32>} : memref<416xi32, #tpu.memory_space<vmem>>, vector<16xi32>,
      %add3A_626 = arith.constant 320 : i32
      %add3A_627 = arith.addi %mul3A_481, %add3A_626 : i32
      %get3A_628 = arith.index_cast %add3A_627 : i32 to index
      %get3A_629 = tpu.vector_load %arg6[%get3A_628] {strides = array<i32>} : memref<13312xi32, #tpu.memory_space<vmem>>, vector<16xi32>,
      %add3A_630 = arith.addi %get3A_625, %get3A_629 : vector<16xi32>
      tpu.vector_store_idx %arg8[%add3A_630], %broadcast_in_dim3A_483 : memref<41600xf32, #tpu.memory_space<vmem>>[vector<16xi32>], vector<16xf32>,
      %get3A_631 = arith.constant 336 : index
      %get3A_632 = tpu.vector_load %arg7[%get3A_631] {strides = array<i32>} : memref<416xi32, #tpu.memory_space<vmem>>, vector<16xi32>,
      %add3A_633 = arith.constant 336 : i32
      %add3A_634 = arith.addi %mul3A_481, %add3A_633 : i32
      %get3A_635 = arith.index_cast %add3A_634 : i32 to index
      %get3A_636 = tpu.vector_load %arg6[%get3A_635] {strides = array<i32>} : memref<13312xi32, #tpu.memory_space<vmem>>, vector<16xi32>,
      %add3A_637 = arith.addi %get3A_632, %get3A_636 : vector<16xi32>
      tpu.vector_store_idx %arg8[%add3A_637], %broadcast_in_dim3A_483 : memref<41600xf32, #tpu.memory_space<vmem>>[vector<16xi32>], vector<16xf32>,
      %get3A_638 = arith.constant 352 : index
      %get3A_639 = tpu.vector_load %arg7[%get3A_638] {strides = array<i32>} : memref<416xi32, #tpu.memory_space<vmem>>, vector<16xi32>,
      %add3A_640 = arith.constant 352 : i32
      %add3A_641 = arith.addi %mul3A_481, %add3A_640 : i32
      %get3A_642 = arith.index_cast %add3A_641 : i32 to index
      %get3A_643 = tpu.vector_load %arg6[%get3A_642] {strides = array<i32>} : memref<13312xi32, #tpu.memory_space<vmem>>, vector<16xi32>,
      %add3A_644 = arith.addi %get3A_639, %get3A_643 : vector<16xi32>
      tpu.vector_store_idx %arg8[%add3A_644], %broadcast_in_dim3A_483 : memref<41600xf32, #tpu.memory_space<vmem>>[vector<16xi32>], vector<16xf32>,
      %get3A_645 = arith.constant 368 : index
      %get3A_646 = tpu.vector_load %arg7[%get3A_645] {strides = array<i32>} : memref<416xi32, #tpu.memory_space<vmem>>, vector<16xi32>,
      %add3A_647 = arith.constant 368 : i32
      %add3A_648 = arith.addi %mul3A_481, %add3A_647 : i32
      %get3A_649 = arith.index_cast %add3A_648 : i32 to index
      %get3A_650 = tpu.vector_load %arg6[%get3A_649] {strides = array<i32>} : memref<13312xi32, #tpu.memory_space<vmem>>, vector<16xi32>,
      %add3A_651 = arith.addi %get3A_646, %get3A_650 : vector<16xi32>
      tpu.vector_store_idx %arg8[%add3A_651], %broadcast_in_dim3A_483 : memref<41600xf32, #tpu.memory_space<vmem>>[vector<16xi32>], vector<16xf32>,
      %get3A_652 = arith.constant 384 : index
      %get3A_653 = tpu.vector_load %arg7[%get3A_652] {strides = array<i32>} : memref<416xi32, #tpu.memory_space<vmem>>, vector<16xi32>,
      %add3A_654 = arith.constant 384 : i32
      %add3A_655 = arith.addi %mul3A_481, %add3A_654 : i32
      %get3A_656 = arith.index_cast %add3A_655 : i32 to index
      %get3A_657 = tpu.vector_load %arg6[%get3A_656] {strides = array<i32>} : memref<13312xi32, #tpu.memory_space<vmem>>, vector<16xi32>,
      %add3A_658 = arith.addi %get3A_653, %get3A_657 : vector<16xi32>
      tpu.vector_store_idx %arg8[%add3A_658], %broadcast_in_dim3A_483 : memref<41600xf32, #tpu.memory_space<vmem>>[vector<16xi32>], vector<16xf32>,
      %get3A_659 = arith.constant 400 : index
      %get3A_660 = tpu.vector_load %arg7[%get3A_659] {strides = array<i32>} : memref<416xi32, #tpu.memory_space<vmem>>, vector<16xi32>,
      %add3A_661 = arith.constant 400 : i32
      %add3A_662 = arith.addi %mul3A_481, %add3A_661 : i32
      %get3A_663 = arith.index_cast %add3A_662 : i32 to index
      %get3A_664 = tpu.vector_load %arg6[%get3A_663] {strides = array<i32>} : memref<13312xi32, #tpu.memory_space<vmem>>, vector<16xi32>,
      %add3A_665 = arith.addi %get3A_660, %get3A_664 : vector<16xi32>
      tpu.vector_store_idx %arg8[%add3A_665], %broadcast_in_dim3A_483 : memref<41600xf32, #tpu.memory_space<vmem>>[vector<16xi32>], vector<16xf32>,
      %mul3A_666 = arith.constant 41600 : i32
      %mul3A_667 = arith.muli %add3A_290, %mul3A_666 : i32
      %add3A_668 = arith.addi %mul3A_2, %mul3A_667 : i32
      %dma_start3A_669 = tpu.memref_slice %arg5[%add3A_668] : memref<42598400xf32, #tpu.memory_space<hbm>> -> memref<41600xf32, #tpu.memory_space<hbm>>
      %dma_start3A_670 = tpu.memref_slice %arg5[%add3A_668] : memref<42598400xf32, #tpu.memory_space<hbm>> -> memref<41600xf32, #tpu.memory_space<hbm>>
      tpu.enqueue_dma source(%arg8 : memref<41600xf32, #tpu.memory_space<vmem>>) target(%dma_start3A_670 : memref<41600xf32, #tpu.memory_space<hbm>>) target_semaphore(%arg11 : memref<!tpu.dma_semaphore, #tpu.memory_space<semaphore_mem>>)
      %mul3A_671 = arith.constant 2 : i32
      %mul3A_672 = arith.muli %scan3A_286, %mul3A_671 : i32
      %add3A_673 = arith.constant 1 : i32
      %add3A_674 = arith.addi %mul3A_672, %add3A_673 : i32
      %dma_wait3A_675 = tpu.memref_slice %arg5[%mul3A_2] : memref<42598400xf32, #tpu.memory_space<hbm>> -> memref<41600xf32, #tpu.memory_space<hbm>>
      %dma_wait3A_676 = tpu.memref_slice %arg5[%mul3A_2] : memref<42598400xf32, #tpu.memory_space<hbm>> -> memref<41600xf32, #tpu.memory_space<hbm>>
      tpu.wait_dma2 semaphore(%arg12 : memref<!tpu.dma_semaphore, #tpu.memory_space<semaphore_mem>>) src(%arg9 : memref<41600xf32, #tpu.memory_space<vmem>>) dst(%dma_wait3A_676 : memref<41600xf32, #tpu.memory_space<hbm>>)
      %sub3A_677 = arith.constant 2 : i32
      %sub3A_678 = arith.subi %add3A_674, %sub3A_677 : i32
      %mul3A_679 = arith.constant 416 : i32
      %mul3A_680 = arith.muli %sub3A_678, %mul3A_679 : i32
      %broadcast_in_dim3A_681 = arith.constant 0.000000e+00 : f32
      %broadcast_in_dim3A_682 = vector.broadcast %broadcast_in_dim3A_681 : f32 to vector<16xf32>
      %get3A_683 = arith.constant 0 : index
      %get3A_684 = tpu.vector_load %arg7[%get3A_683] {strides = array<i32>} : memref<416xi32, #tpu.memory_space<vmem>>, vector<16xi32>,
      %add3A_685 = arith.constant 0 : i32
      %add3A_686 = arith.addi %mul3A_680, %add3A_685 : i32
      %get3A_687 = arith.index_cast %add3A_686 : i32 to index
      %get3A_688 = tpu.vector_load %arg6[%get3A_687] {strides = array<i32>} : memref<13312xi32, #tpu.memory_space<vmem>>, vector<16xi32>,
      %add3A_689 = arith.addi %get3A_684, %get3A_688 : vector<16xi32>
      tpu.vector_store_idx %arg9[%add3A_689], %broadcast_in_dim3A_682 : memref<41600xf32, #tpu.memory_space<vmem>>[vector<16xi32>], vector<16xf32>,
      %get3A_690 = arith.constant 16 : index
      %get3A_691 = tpu.vector_load %arg7[%get3A_690] {strides = array<i32>} : memref<416xi32, #tpu.memory_space<vmem>>, vector<16xi32>,
      %add3A_692 = arith.constant 16 : i32
      %add3A_693 = arith.addi %mul3A_680, %add3A_692 : i32
      %get3A_694 = arith.index_cast %add3A_693 : i32 to index
      %get3A_695 = tpu.vector_load %arg6[%get3A_694] {strides = array<i32>} : memref<13312xi32, #tpu.memory_space<vmem>>, vector<16xi32>,
      %add3A_696 = arith.addi %get3A_691, %get3A_695 : vector<16xi32>
      tpu.vector_store_idx %arg9[%add3A_696], %broadcast_in_dim3A_682 : memref<41600xf32, #tpu.memory_space<vmem>>[vector<16xi32>], vector<16xf32>,
      %get3A_697 = arith.constant 32 : index
      %get3A_698 = tpu.vector_load %arg7[%get3A_697] {strides = array<i32>} : memref<416xi32, #tpu.memory_space<vmem>>, vector<16xi32>,
      %add3A_699 = arith.constant 32 : i32
      %add3A_700 = arith.addi %mul3A_680, %add3A_699 : i32
      %get3A_701 = arith.index_cast %add3A_700 : i32 to index
      %get3A_702 = tpu.vector_load %arg6[%get3A_701] {strides = array<i32>} : memref<13312xi32, #tpu.memory_space<vmem>>, vector<16xi32>,
      %add3A_703 = arith.addi %get3A_698, %get3A_702 : vector<16xi32>
      tpu.vector_store_idx %arg9[%add3A_703], %broadcast_in_dim3A_682 : memref<41600xf32, #tpu.memory_space<vmem>>[vector<16xi32>], vector<16xf32>,
      %get3A_704 = arith.constant 48 : index
      %get3A_705 = tpu.vector_load %arg7[%get3A_704] {strides = array<i32>} : memref<416xi32, #tpu.memory_space<vmem>>, vector<16xi32>,
      %add3A_706 = arith.constant 48 : i32
      %add3A_707 = arith.addi %mul3A_680, %add3A_706 : i32
      %get3A_708 = arith.index_cast %add3A_707 : i32 to index
      %get3A_709 = tpu.vector_load %arg6[%get3A_708] {strides = array<i32>} : memref<13312xi32, #tpu.memory_space<vmem>>, vector<16xi32>,
      %add3A_710 = arith.addi %get3A_705, %get3A_709 : vector<16xi32>
      tpu.vector_store_idx %arg9[%add3A_710], %broadcast_in_dim3A_682 : memref<41600xf32, #tpu.memory_space<vmem>>[vector<16xi32>], vector<16xf32>,
      %get3A_711 = arith.constant 64 : index
      %get3A_712 = tpu.vector_load %arg7[%get3A_711] {strides = array<i32>} : memref<416xi32, #tpu.memory_space<vmem>>, vector<16xi32>,
      %add3A_713 = arith.constant 64 : i32
      %add3A_714 = arith.addi %mul3A_680, %add3A_713 : i32
      %get3A_715 = arith.index_cast %add3A_714 : i32 to index
      %get3A_716 = tpu.vector_load %arg6[%get3A_715] {strides = array<i32>} : memref<13312xi32, #tpu.memory_space<vmem>>, vector<16xi32>,
      %add3A_717 = arith.addi %get3A_712, %get3A_716 : vector<16xi32>
      tpu.vector_store_idx %arg9[%add3A_717], %broadcast_in_dim3A_682 : memref<41600xf32, #tpu.memory_space<vmem>>[vector<16xi32>], vector<16xf32>,
      %get3A_718 = arith.constant 80 : index
      %get3A_719 = tpu.vector_load %arg7[%get3A_718] {strides = array<i32>} : memref<416xi32, #tpu.memory_space<vmem>>, vector<16xi32>,
      %add3A_720 = arith.constant 80 : i32
      %add3A_721 = arith.addi %mul3A_680, %add3A_720 : i32
      %get3A_722 = arith.index_cast %add3A_721 : i32 to index
      %get3A_723 = tpu.vector_load %arg6[%get3A_722] {strides = array<i32>} : memref<13312xi32, #tpu.memory_space<vmem>>, vector<16xi32>,
      %add3A_724 = arith.addi %get3A_719, %get3A_723 : vector<16xi32>
      tpu.vector_store_idx %arg9[%add3A_724], %broadcast_in_dim3A_682 : memref<41600xf32, #tpu.memory_space<vmem>>[vector<16xi32>], vector<16xf32>,
      %get3A_725 = arith.constant 96 : index
      %get3A_726 = tpu.vector_load %arg7[%get3A_725] {strides = array<i32>} : memref<416xi32, #tpu.memory_space<vmem>>, vector<16xi32>,
      %add3A_727 = arith.constant 96 : i32
      %add3A_728 = arith.addi %mul3A_680, %add3A_727 : i32
      %get3A_729 = arith.index_cast %add3A_728 : i32 to index
      %get3A_730 = tpu.vector_load %arg6[%get3A_729] {strides = array<i32>} : memref<13312xi32, #tpu.memory_space<vmem>>, vector<16xi32>,
      %add3A_731 = arith.addi %get3A_726, %get3A_730 : vector<16xi32>
      tpu.vector_store_idx %arg9[%add3A_731], %broadcast_in_dim3A_682 : memref<41600xf32, #tpu.memory_space<vmem>>[vector<16xi32>], vector<16xf32>,
      %get3A_732 = arith.constant 112 : index
      %get3A_733 = tpu.vector_load %arg7[%get3A_732] {strides = array<i32>} : memref<416xi32, #tpu.memory_space<vmem>>, vector<16xi32>,
      %add3A_734 = arith.constant 112 : i32
      %add3A_735 = arith.addi %mul3A_680, %add3A_734 : i32
      %get3A_736 = arith.index_cast %add3A_735 : i32 to index
      %get3A_737 = tpu.vector_load %arg6[%get3A_736] {strides = array<i32>} : memref<13312xi32, #tpu.memory_space<vmem>>, vector<16xi32>,
      %add3A_738 = arith.addi %get3A_733, %get3A_737 : vector<16xi32>
      tpu.vector_store_idx %arg9[%add3A_738], %broadcast_in_dim3A_682 : memref<41600xf32, #tpu.memory_space<vmem>>[vector<16xi32>], vector<16xf32>,
      %get3A_739 = arith.constant 128 : index
      %get3A_740 = tpu.vector_load %arg7[%get3A_739] {strides = array<i32>} : memref<416xi32, #tpu.memory_space<vmem>>, vector<16xi32>,
      %add3A_741 = arith.constant 128 : i32
      %add3A_742 = arith.addi %mul3A_680, %add3A_741 : i32
      %get3A_743 = arith.index_cast %add3A_742 : i32 to index
      %get3A_744 = tpu.vector_load %arg6[%get3A_743] {strides = array<i32>} : memref<13312xi32, #tpu.memory_space<vmem>>, vector<16xi32>,
      %add3A_745 = arith.addi %get3A_740, %get3A_744 : vector<16xi32>
      tpu.vector_store_idx %arg9[%add3A_745], %broadcast_in_dim3A_682 : memref<41600xf32, #tpu.memory_space<vmem>>[vector<16xi32>], vector<16xf32>,
      %get3A_746 = arith.constant 144 : index
      %get3A_747 = tpu.vector_load %arg7[%get3A_746] {strides = array<i32>} : memref<416xi32, #tpu.memory_space<vmem>>, vector<16xi32>,
      %add3A_748 = arith.constant 144 : i32
      %add3A_749 = arith.addi %mul3A_680, %add3A_748 : i32
      %get3A_750 = arith.index_cast %add3A_749 : i32 to index
      %get3A_751 = tpu.vector_load %arg6[%get3A_750] {strides = array<i32>} : memref<13312xi32, #tpu.memory_space<vmem>>, vector<16xi32>,
      %add3A_752 = arith.addi %get3A_747, %get3A_751 : vector<16xi32>
      tpu.vector_store_idx %arg9[%add3A_752], %broadcast_in_dim3A_682 : memref<41600xf32, #tpu.memory_space<vmem>>[vector<16xi32>], vector<16xf32>,
      %get3A_753 = arith.constant 160 : index
      %get3A_754 = tpu.vector_load %arg7[%get3A_753] {strides = array<i32>} : memref<416xi32, #tpu.memory_space<vmem>>, vector<16xi32>,
      %add3A_755 = arith.constant 160 : i32
      %add3A_756 = arith.addi %mul3A_680, %add3A_755 : i32
      %get3A_757 = arith.index_cast %add3A_756 : i32 to index
      %get3A_758 = tpu.vector_load %arg6[%get3A_757] {strides = array<i32>} : memref<13312xi32, #tpu.memory_space<vmem>>, vector<16xi32>,
      %add3A_759 = arith.addi %get3A_754, %get3A_758 : vector<16xi32>
      tpu.vector_store_idx %arg9[%add3A_759], %broadcast_in_dim3A_682 : memref<41600xf32, #tpu.memory_space<vmem>>[vector<16xi32>], vector<16xf32>,
      %get3A_760 = arith.constant 176 : index
      %get3A_761 = tpu.vector_load %arg7[%get3A_760] {strides = array<i32>} : memref<416xi32, #tpu.memory_space<vmem>>, vector<16xi32>,
      %add3A_762 = arith.constant 176 : i32
      %add3A_763 = arith.addi %mul3A_680, %add3A_762 : i32
      %get3A_764 = arith.index_cast %add3A_763 : i32 to index
      %get3A_765 = tpu.vector_load %arg6[%get3A_764] {strides = array<i32>} : memref<13312xi32, #tpu.memory_space<vmem>>, vector<16xi32>,
      %add3A_766 = arith.addi %get3A_761, %get3A_765 : vector<16xi32>
      tpu.vector_store_idx %arg9[%add3A_766], %broadcast_in_dim3A_682 : memref<41600xf32, #tpu.memory_space<vmem>>[vector<16xi32>], vector<16xf32>,
      %get3A_767 = arith.constant 192 : index
      %get3A_768 = tpu.vector_load %arg7[%get3A_767] {strides = array<i32>} : memref<416xi32, #tpu.memory_space<vmem>>, vector<16xi32>,
      %add3A_769 = arith.constant 192 : i32
      %add3A_770 = arith.addi %mul3A_680, %add3A_769 : i32
      %get3A_771 = arith.index_cast %add3A_770 : i32 to index
      %get3A_772 = tpu.vector_load %arg6[%get3A_771] {strides = array<i32>} : memref<13312xi32, #tpu.memory_space<vmem>>, vector<16xi32>,
      %add3A_773 = arith.addi %get3A_768, %get3A_772 : vector<16xi32>
      tpu.vector_store_idx %arg9[%add3A_773], %broadcast_in_dim3A_682 : memref<41600xf32, #tpu.memory_space<vmem>>[vector<16xi32>], vector<16xf32>,
      %get3A_774 = arith.constant 208 : index
      %get3A_775 = tpu.vector_load %arg7[%get3A_774] {strides = array<i32>} : memref<416xi32, #tpu.memory_space<vmem>>, vector<16xi32>,
      %add3A_776 = arith.constant 208 : i32
      %add3A_777 = arith.addi %mul3A_680, %add3A_776 : i32
      %get3A_778 = arith.index_cast %add3A_777 : i32 to index
      %get3A_779 = tpu.vector_load %arg6[%get3A_778] {strides = array<i32>} : memref<13312xi32, #tpu.memory_space<vmem>>, vector<16xi32>,
      %add3A_780 = arith.addi %get3A_775, %get3A_779 : vector<16xi32>
      tpu.vector_store_idx %arg9[%add3A_780], %broadcast_in_dim3A_682 : memref<41600xf32, #tpu.memory_space<vmem>>[vector<16xi32>], vector<16xf32>,
      %get3A_781 = arith.constant 224 : index
      %get3A_782 = tpu.vector_load %arg7[%get3A_781] {strides = array<i32>} : memref<416xi32, #tpu.memory_space<vmem>>, vector<16xi32>,
      %add3A_783 = arith.constant 224 : i32
      %add3A_784 = arith.addi %mul3A_680, %add3A_783 : i32
      %get3A_785 = arith.index_cast %add3A_784 : i32 to index
      %get3A_786 = tpu.vector_load %arg6[%get3A_785] {strides = array<i32>} : memref<13312xi32, #tpu.memory_space<vmem>>, vector<16xi32>,
      %add3A_787 = arith.addi %get3A_782, %get3A_786 : vector<16xi32>
      tpu.vector_store_idx %arg9[%add3A_787], %broadcast_in_dim3A_682 : memref<41600xf32, #tpu.memory_space<vmem>>[vector<16xi32>], vector<16xf32>,
      %get3A_788 = arith.constant 240 : index
      %get3A_789 = tpu.vector_load %arg7[%get3A_788] {strides = array<i32>} : memref<416xi32, #tpu.memory_space<vmem>>, vector<16xi32>,
      %add3A_790 = arith.constant 240 : i32
      %add3A_791 = arith.addi %mul3A_680, %add3A_790 : i32
      %get3A_792 = arith.index_cast %add3A_791 : i32 to index
      %get3A_793 = tpu.vector_load %arg6[%get3A_792] {strides = array<i32>} : memref<13312xi32, #tpu.memory_space<vmem>>, vector<16xi32>,
      %add3A_794 = arith.addi %get3A_789, %get3A_793 : vector<16xi32>
      tpu.vector_store_idx %arg9[%add3A_794], %broadcast_in_dim3A_682 : memref<41600xf32, #tpu.memory_space<vmem>>[vector<16xi32>], vector<16xf32>,
      %get3A_795 = arith.constant 256 : index
      %get3A_796 = tpu.vector_load %arg7[%get3A_795] {strides = array<i32>} : memref<416xi32, #tpu.memory_space<vmem>>, vector<16xi32>,
      %add3A_797 = arith.constant 256 : i32
      %add3A_798 = arith.addi %mul3A_680, %add3A_797 : i32
      %get3A_799 = arith.index_cast %add3A_798 : i32 to index
      %get3A_800 = tpu.vector_load %arg6[%get3A_799] {strides = array<i32>} : memref<13312xi32, #tpu.memory_space<vmem>>, vector<16xi32>,
      %add3A_801 = arith.addi %get3A_796, %get3A_800 : vector<16xi32>
      tpu.vector_store_idx %arg9[%add3A_801], %broadcast_in_dim3A_682 : memref<41600xf32, #tpu.memory_space<vmem>>[vector<16xi32>], vector<16xf32>,
      %get3A_802 = arith.constant 272 : index
      %get3A_803 = tpu.vector_load %arg7[%get3A_802] {strides = array<i32>} : memref<416xi32, #tpu.memory_space<vmem>>, vector<16xi32>,
      %add3A_804 = arith.constant 272 : i32
      %add3A_805 = arith.addi %mul3A_680, %add3A_804 : i32
      %get3A_806 = arith.index_cast %add3A_805 : i32 to index
      %get3A_807 = tpu.vector_load %arg6[%get3A_806] {strides = array<i32>} : memref<13312xi32, #tpu.memory_space<vmem>>, vector<16xi32>,
      %add3A_808 = arith.addi %get3A_803, %get3A_807 : vector<16xi32>
      tpu.vector_store_idx %arg9[%add3A_808], %broadcast_in_dim3A_682 : memref<41600xf32, #tpu.memory_space<vmem>>[vector<16xi32>], vector<16xf32>,
      %get3A_809 = arith.constant 288 : index
      %get3A_810 = tpu.vector_load %arg7[%get3A_809] {strides = array<i32>} : memref<416xi32, #tpu.memory_space<vmem>>, vector<16xi32>,
      %add3A_811 = arith.constant 288 : i32
      %add3A_812 = arith.addi %mul3A_680, %add3A_811 : i32
      %get3A_813 = arith.index_cast %add3A_812 : i32 to index
      %get3A_814 = tpu.vector_load %arg6[%get3A_813] {strides = array<i32>} : memref<13312xi32, #tpu.memory_space<vmem>>, vector<16xi32>,
      %add3A_815 = arith.addi %get3A_810, %get3A_814 : vector<16xi32>
      tpu.vector_store_idx %arg9[%add3A_815], %broadcast_in_dim3A_682 : memref<41600xf32, #tpu.memory_space<vmem>>[vector<16xi32>], vector<16xf32>,
      %get3A_816 = arith.constant 304 : index
      %get3A_817 = tpu.vector_load %arg7[%get3A_816] {strides = array<i32>} : memref<416xi32, #tpu.memory_space<vmem>>, vector<16xi32>,
      %add3A_818 = arith.constant 304 : i32
      %add3A_819 = arith.addi %mul3A_680, %add3A_818 : i32
      %get3A_820 = arith.index_cast %add3A_819 : i32 to index
      %get3A_821 = tpu.vector_load %arg6[%get3A_820] {strides = array<i32>} : memref<13312xi32, #tpu.memory_space<vmem>>, vector<16xi32>,
      %add3A_822 = arith.addi %get3A_817, %get3A_821 : vector<16xi32>
      tpu.vector_store_idx %arg9[%add3A_822], %broadcast_in_dim3A_682 : memref<41600xf32, #tpu.memory_space<vmem>>[vector<16xi32>], vector<16xf32>,
      %get3A_823 = arith.constant 320 : index
      %get3A_824 = tpu.vector_load %arg7[%get3A_823] {strides = array<i32>} : memref<416xi32, #tpu.memory_space<vmem>>, vector<16xi32>,
      %add3A_825 = arith.constant 320 : i32
      %add3A_826 = arith.addi %mul3A_680, %add3A_825 : i32
      %get3A_827 = arith.index_cast %add3A_826 : i32 to index
      %get3A_828 = tpu.vector_load %arg6[%get3A_827] {strides = array<i32>} : memref<13312xi32, #tpu.memory_space<vmem>>, vector<16xi32>,
      %add3A_829 = arith.addi %get3A_824, %get3A_828 : vector<16xi32>
      tpu.vector_store_idx %arg9[%add3A_829], %broadcast_in_dim3A_682 : memref<41600xf32, #tpu.memory_space<vmem>>[vector<16xi32>], vector<16xf32>,
      %get3A_830 = arith.constant 336 : index
      %get3A_831 = tpu.vector_load %arg7[%get3A_830] {strides = array<i32>} : memref<416xi32, #tpu.memory_space<vmem>>, vector<16xi32>,
      %add3A_832 = arith.constant 336 : i32
      %add3A_833 = arith.addi %mul3A_680, %add3A_832 : i32
      %get3A_834 = arith.index_cast %add3A_833 : i32 to index
      %get3A_835 = tpu.vector_load %arg6[%get3A_834] {strides = array<i32>} : memref<13312xi32, #tpu.memory_space<vmem>>, vector<16xi32>,
      %add3A_836 = arith.addi %get3A_831, %get3A_835 : vector<16xi32>
      tpu.vector_store_idx %arg9[%add3A_836], %broadcast_in_dim3A_682 : memref<41600xf32, #tpu.memory_space<vmem>>[vector<16xi32>], vector<16xf32>,
      %get3A_837 = arith.constant 352 : index
      %get3A_838 = tpu.vector_load %arg7[%get3A_837] {strides = array<i32>} : memref<416xi32, #tpu.memory_space<vmem>>, vector<16xi32>,
      %add3A_839 = arith.constant 352 : i32
      %add3A_840 = arith.addi %mul3A_680, %add3A_839 : i32
      %get3A_841 = arith.index_cast %add3A_840 : i32 to index
      %get3A_842 = tpu.vector_load %arg6[%get3A_841] {strides = array<i32>} : memref<13312xi32, #tpu.memory_space<vmem>>, vector<16xi32>,
      %add3A_843 = arith.addi %get3A_838, %get3A_842 : vector<16xi32>
      tpu.vector_store_idx %arg9[%add3A_843], %broadcast_in_dim3A_682 : memref<41600xf32, #tpu.memory_space<vmem>>[vector<16xi32>], vector<16xf32>,
      %get3A_844 = arith.constant 368 : index
      %get3A_845 = tpu.vector_load %arg7[%get3A_844] {strides = array<i32>} : memref<416xi32, #tpu.memory_space<vmem>>, vector<16xi32>,
      %add3A_846 = arith.constant 368 : i32
      %add3A_847 = arith.addi %mul3A_680, %add3A_846 : i32
      %get3A_848 = arith.index_cast %add3A_847 : i32 to index
      %get3A_849 = tpu.vector_load %arg6[%get3A_848] {strides = array<i32>} : memref<13312xi32, #tpu.memory_space<vmem>>, vector<16xi32>,
      %add3A_850 = arith.addi %get3A_845, %get3A_849 : vector<16xi32>
      tpu.vector_store_idx %arg9[%add3A_850], %broadcast_in_dim3A_682 : memref<41600xf32, #tpu.memory_space<vmem>>[vector<16xi32>], vector<16xf32>,
      %get3A_851 = arith.constant 384 : index
      %get3A_852 = tpu.vector_load %arg7[%get3A_851] {strides = array<i32>} : memref<416xi32, #tpu.memory_space<vmem>>, vector<16xi32>,
      %add3A_853 = arith.constant 384 : i32
      %add3A_854 = arith.addi %mul3A_680, %add3A_853 : i32
      %get3A_855 = arith.index_cast %add3A_854 : i32 to index
      %get3A_856 = tpu.vector_load %arg6[%get3A_855] {strides = array<i32>} : memref<13312xi32, #tpu.memory_space<vmem>>, vector<16xi32>,
      %add3A_857 = arith.addi %get3A_852, %get3A_856 : vector<16xi32>
      tpu.vector_store_idx %arg9[%add3A_857], %broadcast_in_dim3A_682 : memref<41600xf32, #tpu.memory_space<vmem>>[vector<16xi32>], vector<16xf32>,
      %get3A_858 = arith.constant 400 : index
      %get3A_859 = tpu.vector_load %arg7[%get3A_858] {strides = array<i32>} : memref<416xi32, #tpu.memory_space<vmem>>, vector<16xi32>,
      %add3A_860 = arith.constant 400 : i32
      %add3A_861 = arith.addi %mul3A_680, %add3A_860 : i32
      %get3A_862 = arith.index_cast %add3A_861 : i32 to index
      %get3A_863 = tpu.vector_load %arg6[%get3A_862] {strides = array<i32>} : memref<13312xi32, #tpu.memory_space<vmem>>, vector<16xi32>,
      %add3A_864 = arith.addi %get3A_859, %get3A_863 : vector<16xi32>
      tpu.vector_store_idx %arg9[%add3A_864], %broadcast_in_dim3A_682 : memref<41600xf32, #tpu.memory_space<vmem>>[vector<16xi32>], vector<16xf32>,
      %mul3A_865 = arith.constant 416 : i32
      %mul3A_866 = arith.muli %add3A_674, %mul3A_865 : i32
      %broadcast_in_dim3A_867 = arith.constant 1.000000e+00 : f32
      %broadcast_in_dim3A_868 = vector.broadcast %broadcast_in_dim3A_867 : f32 to vector<16xf32>
      %get3A_869 = arith.constant 0 : index
      %get3A_870 = tpu.vector_load %arg7[%get3A_869] {strides = array<i32>} : memref<416xi32, #tpu.memory_space<vmem>>, vector<16xi32>,
      %add3A_871 = arith.constant 0 : i32
      %add3A_872 = arith.addi %mul3A_866, %add3A_871 : i32
      %get3A_873 = arith.index_cast %add3A_872 : i32 to index
      %get3A_874 = tpu.vector_load %arg6[%get3A_873] {strides = array<i32>} : memref<13312xi32, #tpu.memory_space<vmem>>, vector<16xi32>,
      %add3A_875 = arith.addi %get3A_870, %get3A_874 : vector<16xi32>
      tpu.vector_store_idx %arg9[%add3A_875], %broadcast_in_dim3A_868 : memref<41600xf32, #tpu.memory_space<vmem>>[vector<16xi32>], vector<16xf32>,
      %get3A_876 = arith.constant 16 : index
      %get3A_877 = tpu.vector_load %arg7[%get3A_876] {strides = array<i32>} : memref<416xi32, #tpu.memory_space<vmem>>, vector<16xi32>,
      %add3A_878 = arith.constant 16 : i32
      %add3A_879 = arith.addi %mul3A_866, %add3A_878 : i32
      %get3A_880 = arith.index_cast %add3A_879 : i32 to index
      %get3A_881 = tpu.vector_load %arg6[%get3A_880] {strides = array<i32>} : memref<13312xi32, #tpu.memory_space<vmem>>, vector<16xi32>,
      %add3A_882 = arith.addi %get3A_877, %get3A_881 : vector<16xi32>
      tpu.vector_store_idx %arg9[%add3A_882], %broadcast_in_dim3A_868 : memref<41600xf32, #tpu.memory_space<vmem>>[vector<16xi32>], vector<16xf32>,
      %get3A_883 = arith.constant 32 : index
      %get3A_884 = tpu.vector_load %arg7[%get3A_883] {strides = array<i32>} : memref<416xi32, #tpu.memory_space<vmem>>, vector<16xi32>,
      %add3A_885 = arith.constant 32 : i32
      %add3A_886 = arith.addi %mul3A_866, %add3A_885 : i32
      %get3A_887 = arith.index_cast %add3A_886 : i32 to index
      %get3A_888 = tpu.vector_load %arg6[%get3A_887] {strides = array<i32>} : memref<13312xi32, #tpu.memory_space<vmem>>, vector<16xi32>,
      %add3A_889 = arith.addi %get3A_884, %get3A_888 : vector<16xi32>
      tpu.vector_store_idx %arg9[%add3A_889], %broadcast_in_dim3A_868 : memref<41600xf32, #tpu.memory_space<vmem>>[vector<16xi32>], vector<16xf32>,
      %get3A_890 = arith.constant 48 : index
      %get3A_891 = tpu.vector_load %arg7[%get3A_890] {strides = array<i32>} : memref<416xi32, #tpu.memory_space<vmem>>, vector<16xi32>,
      %add3A_892 = arith.constant 48 : i32
      %add3A_893 = arith.addi %mul3A_866, %add3A_892 : i32
      %get3A_894 = arith.index_cast %add3A_893 : i32 to index
      %get3A_895 = tpu.vector_load %arg6[%get3A_894] {strides = array<i32>} : memref<13312xi32, #tpu.memory_space<vmem>>, vector<16xi32>,
      %add3A_896 = arith.addi %get3A_891, %get3A_895 : vector<16xi32>
      tpu.vector_store_idx %arg9[%add3A_896], %broadcast_in_dim3A_868 : memref<41600xf32, #tpu.memory_space<vmem>>[vector<16xi32>], vector<16xf32>,
      %get3A_897 = arith.constant 64 : index
      %get3A_898 = tpu.vector_load %arg7[%get3A_897] {strides = array<i32>} : memref<416xi32, #tpu.memory_space<vmem>>, vector<16xi32>,
      %add3A_899 = arith.constant 64 : i32
      %add3A_900 = arith.addi %mul3A_866, %add3A_899 : i32
      %get3A_901 = arith.index_cast %add3A_900 : i32 to index
      %get3A_902 = tpu.vector_load %arg6[%get3A_901] {strides = array<i32>} : memref<13312xi32, #tpu.memory_space<vmem>>, vector<16xi32>,
      %add3A_903 = arith.addi %get3A_898, %get3A_902 : vector<16xi32>
      tpu.vector_store_idx %arg9[%add3A_903], %broadcast_in_dim3A_868 : memref<41600xf32, #tpu.memory_space<vmem>>[vector<16xi32>], vector<16xf32>,
      %get3A_904 = arith.constant 80 : index
      %get3A_905 = tpu.vector_load %arg7[%get3A_904] {strides = array<i32>} : memref<416xi32, #tpu.memory_space<vmem>>, vector<16xi32>,
      %add3A_906 = arith.constant 80 : i32
      %add3A_907 = arith.addi %mul3A_866, %add3A_906 : i32
      %get3A_908 = arith.index_cast %add3A_907 : i32 to index
      %get3A_909 = tpu.vector_load %arg6[%get3A_908] {strides = array<i32>} : memref<13312xi32, #tpu.memory_space<vmem>>, vector<16xi32>,
      %add3A_910 = arith.addi %get3A_905, %get3A_909 : vector<16xi32>
      tpu.vector_store_idx %arg9[%add3A_910], %broadcast_in_dim3A_868 : memref<41600xf32, #tpu.memory_space<vmem>>[vector<16xi32>], vector<16xf32>,
      %get3A_911 = arith.constant 96 : index
      %get3A_912 = tpu.vector_load %arg7[%get3A_911] {strides = array<i32>} : memref<416xi32, #tpu.memory_space<vmem>>, vector<16xi32>,
      %add3A_913 = arith.constant 96 : i32
      %add3A_914 = arith.addi %mul3A_866, %add3A_913 : i32
      %get3A_915 = arith.index_cast %add3A_914 : i32 to index
      %get3A_916 = tpu.vector_load %arg6[%get3A_915] {strides = array<i32>} : memref<13312xi32, #tpu.memory_space<vmem>>, vector<16xi32>,
      %add3A_917 = arith.addi %get3A_912, %get3A_916 : vector<16xi32>
      tpu.vector_store_idx %arg9[%add3A_917], %broadcast_in_dim3A_868 : memref<41600xf32, #tpu.memory_space<vmem>>[vector<16xi32>], vector<16xf32>,
      %get3A_918 = arith.constant 112 : index
      %get3A_919 = tpu.vector_load %arg7[%get3A_918] {strides = array<i32>} : memref<416xi32, #tpu.memory_space<vmem>>, vector<16xi32>,
      %add3A_920 = arith.constant 112 : i32
      %add3A_921 = arith.addi %mul3A_866, %add3A_920 : i32
      %get3A_922 = arith.index_cast %add3A_921 : i32 to index
      %get3A_923 = tpu.vector_load %arg6[%get3A_922] {strides = array<i32>} : memref<13312xi32, #tpu.memory_space<vmem>>, vector<16xi32>,
      %add3A_924 = arith.addi %get3A_919, %get3A_923 : vector<16xi32>
      tpu.vector_store_idx %arg9[%add3A_924], %broadcast_in_dim3A_868 : memref<41600xf32, #tpu.memory_space<vmem>>[vector<16xi32>], vector<16xf32>,
      %get3A_925 = arith.constant 128 : index
      %get3A_926 = tpu.vector_load %arg7[%get3A_925] {strides = array<i32>} : memref<416xi32, #tpu.memory_space<vmem>>, vector<16xi32>,
      %add3A_927 = arith.constant 128 : i32
      %add3A_928 = arith.addi %mul3A_866, %add3A_927 : i32
      %get3A_929 = arith.index_cast %add3A_928 : i32 to index
      %get3A_930 = tpu.vector_load %arg6[%get3A_929] {strides = array<i32>} : memref<13312xi32, #tpu.memory_space<vmem>>, vector<16xi32>,
      %add3A_931 = arith.addi %get3A_926, %get3A_930 : vector<16xi32>
      tpu.vector_store_idx %arg9[%add3A_931], %broadcast_in_dim3A_868 : memref<41600xf32, #tpu.memory_space<vmem>>[vector<16xi32>], vector<16xf32>,
      %get3A_932 = arith.constant 144 : index
      %get3A_933 = tpu.vector_load %arg7[%get3A_932] {strides = array<i32>} : memref<416xi32, #tpu.memory_space<vmem>>, vector<16xi32>,
      %add3A_934 = arith.constant 144 : i32
      %add3A_935 = arith.addi %mul3A_866, %add3A_934 : i32
      %get3A_936 = arith.index_cast %add3A_935 : i32 to index
      %get3A_937 = tpu.vector_load %arg6[%get3A_936] {strides = array<i32>} : memref<13312xi32, #tpu.memory_space<vmem>>, vector<16xi32>,
      %add3A_938 = arith.addi %get3A_933, %get3A_937 : vector<16xi32>
      tpu.vector_store_idx %arg9[%add3A_938], %broadcast_in_dim3A_868 : memref<41600xf32, #tpu.memory_space<vmem>>[vector<16xi32>], vector<16xf32>,
      %get3A_939 = arith.constant 160 : index
      %get3A_940 = tpu.vector_load %arg7[%get3A_939] {strides = array<i32>} : memref<416xi32, #tpu.memory_space<vmem>>, vector<16xi32>,
      %add3A_941 = arith.constant 160 : i32
      %add3A_942 = arith.addi %mul3A_866, %add3A_941 : i32
      %get3A_943 = arith.index_cast %add3A_942 : i32 to index
      %get3A_944 = tpu.vector_load %arg6[%get3A_943] {strides = array<i32>} : memref<13312xi32, #tpu.memory_space<vmem>>, vector<16xi32>,
      %add3A_945 = arith.addi %get3A_940, %get3A_944 : vector<16xi32>
      tpu.vector_store_idx %arg9[%add3A_945], %broadcast_in_dim3A_868 : memref<41600xf32, #tpu.memory_space<vmem>>[vector<16xi32>], vector<16xf32>,
      %get3A_946 = arith.constant 176 : index
      %get3A_947 = tpu.vector_load %arg7[%get3A_946] {strides = array<i32>} : memref<416xi32, #tpu.memory_space<vmem>>, vector<16xi32>,
      %add3A_948 = arith.constant 176 : i32
      %add3A_949 = arith.addi %mul3A_866, %add3A_948 : i32
      %get3A_950 = arith.index_cast %add3A_949 : i32 to index
      %get3A_951 = tpu.vector_load %arg6[%get3A_950] {strides = array<i32>} : memref<13312xi32, #tpu.memory_space<vmem>>, vector<16xi32>,
      %add3A_952 = arith.addi %get3A_947, %get3A_951 : vector<16xi32>
      tpu.vector_store_idx %arg9[%add3A_952], %broadcast_in_dim3A_868 : memref<41600xf32, #tpu.memory_space<vmem>>[vector<16xi32>], vector<16xf32>,
      %get3A_953 = arith.constant 192 : index
      %get3A_954 = tpu.vector_load %arg7[%get3A_953] {strides = array<i32>} : memref<416xi32, #tpu.memory_space<vmem>>, vector<16xi32>,
      %add3A_955 = arith.constant 192 : i32
      %add3A_956 = arith.addi %mul3A_866, %add3A_955 : i32
      %get3A_957 = arith.index_cast %add3A_956 : i32 to index
      %get3A_958 = tpu.vector_load %arg6[%get3A_957] {strides = array<i32>} : memref<13312xi32, #tpu.memory_space<vmem>>, vector<16xi32>,
      %add3A_959 = arith.addi %get3A_954, %get3A_958 : vector<16xi32>
      tpu.vector_store_idx %arg9[%add3A_959], %broadcast_in_dim3A_868 : memref<41600xf32, #tpu.memory_space<vmem>>[vector<16xi32>], vector<16xf32>,
      %get3A_960 = arith.constant 208 : index
      %get3A_961 = tpu.vector_load %arg7[%get3A_960] {strides = array<i32>} : memref<416xi32, #tpu.memory_space<vmem>>, vector<16xi32>,
      %add3A_962 = arith.constant 208 : i32
      %add3A_963 = arith.addi %mul3A_866, %add3A_962 : i32
      %get3A_964 = arith.index_cast %add3A_963 : i32 to index
      %get3A_965 = tpu.vector_load %arg6[%get3A_964] {strides = array<i32>} : memref<13312xi32, #tpu.memory_space<vmem>>, vector<16xi32>,
      %add3A_966 = arith.addi %get3A_961, %get3A_965 : vector<16xi32>
      tpu.vector_store_idx %arg9[%add3A_966], %broadcast_in_dim3A_868 : memref<41600xf32, #tpu.memory_space<vmem>>[vector<16xi32>], vector<16xf32>,
      %get3A_967 = arith.constant 224 : index
      %get3A_968 = tpu.vector_load %arg7[%get3A_967] {strides = array<i32>} : memref<416xi32, #tpu.memory_space<vmem>>, vector<16xi32>,
      %add3A_969 = arith.constant 224 : i32
      %add3A_970 = arith.addi %mul3A_866, %add3A_969 : i32
      %get3A_971 = arith.index_cast %add3A_970 : i32 to index
      %get3A_972 = tpu.vector_load %arg6[%get3A_971] {strides = array<i32>} : memref<13312xi32, #tpu.memory_space<vmem>>, vector<16xi32>,
      %add3A_973 = arith.addi %get3A_968, %get3A_972 : vector<16xi32>
      tpu.vector_store_idx %arg9[%add3A_973], %broadcast_in_dim3A_868 : memref<41600xf32, #tpu.memory_space<vmem>>[vector<16xi32>], vector<16xf32>,
      %get3A_974 = arith.constant 240 : index
      %get3A_975 = tpu.vector_load %arg7[%get3A_974] {strides = array<i32>} : memref<416xi32, #tpu.memory_space<vmem>>, vector<16xi32>,
      %add3A_976 = arith.constant 240 : i32
      %add3A_977 = arith.addi %mul3A_866, %add3A_976 : i32
      %get3A_978 = arith.index_cast %add3A_977 : i32 to index
      %get3A_979 = tpu.vector_load %arg6[%get3A_978] {strides = array<i32>} : memref<13312xi32, #tpu.memory_space<vmem>>, vector<16xi32>,
      %add3A_980 = arith.addi %get3A_975, %get3A_979 : vector<16xi32>
      tpu.vector_store_idx %arg9[%add3A_980], %broadcast_in_dim3A_868 : memref<41600xf32, #tpu.memory_space<vmem>>[vector<16xi32>], vector<16xf32>,
      %get3A_981 = arith.constant 256 : index
      %get3A_982 = tpu.vector_load %arg7[%get3A_981] {strides = array<i32>} : memref<416xi32, #tpu.memory_space<vmem>>, vector<16xi32>,
      %add3A_983 = arith.constant 256 : i32
      %add3A_984 = arith.addi %mul3A_866, %add3A_983 : i32
      %get3A_985 = arith.index_cast %add3A_984 : i32 to index
      %get3A_986 = tpu.vector_load %arg6[%get3A_985] {strides = array<i32>} : memref<13312xi32, #tpu.memory_space<vmem>>, vector<16xi32>,
      %add3A_987 = arith.addi %get3A_982, %get3A_986 : vector<16xi32>
      tpu.vector_store_idx %arg9[%add3A_987], %broadcast_in_dim3A_868 : memref<41600xf32, #tpu.memory_space<vmem>>[vector<16xi32>], vector<16xf32>,
      %get3A_988 = arith.constant 272 : index
      %get3A_989 = tpu.vector_load %arg7[%get3A_988] {strides = array<i32>} : memref<416xi32, #tpu.memory_space<vmem>>, vector<16xi32>,
      %add3A_990 = arith.constant 272 : i32
      %add3A_991 = arith.addi %mul3A_866, %add3A_990 : i32
      %get3A_992 = arith.index_cast %add3A_991 : i32 to index
      %get3A_993 = tpu.vector_load %arg6[%get3A_992] {strides = array<i32>} : memref<13312xi32, #tpu.memory_space<vmem>>, vector<16xi32>,
      %add3A_994 = arith.addi %get3A_989, %get3A_993 : vector<16xi32>
      tpu.vector_store_idx %arg9[%add3A_994], %broadcast_in_dim3A_868 : memref<41600xf32, #tpu.memory_space<vmem>>[vector<16xi32>], vector<16xf32>,
      %get3A_995 = arith.constant 288 : index
      %get3A_996 = tpu.vector_load %arg7[%get3A_995] {strides = array<i32>} : memref<416xi32, #tpu.memory_space<vmem>>, vector<16xi32>,
      %add3A_997 = arith.constant 288 : i32
      %add3A_998 = arith.addi %mul3A_866, %add3A_997 : i32
      %get3A_999 = arith.index_cast %add3A_998 : i32 to index
      %get3A_1000 = tpu.vector_load %arg6[%get3A_999] {strides = array<i32>} : memref<13312xi32, #tpu.memory_space<vmem>>, vector<16xi32>,
      %add3A_1001 = arith.addi %get3A_996, %get3A_1000 : vector<16xi32>
      tpu.vector_store_idx %arg9[%add3A_1001], %broadcast_in_dim3A_868 : memref<41600xf32, #tpu.memory_space<vmem>>[vector<16xi32>], vector<16xf32>,
      %get3A_1002 = arith.constant 304 : index
      %get3A_1003 = tpu.vector_load %arg7[%get3A_1002] {strides = array<i32>} : memref<416xi32, #tpu.memory_space<vmem>>, vector<16xi32>,
      %add3A_1004 = arith.constant 304 : i32
      %add3A_1005 = arith.addi %mul3A_866, %add3A_1004 : i32
      %get3A_1006 = arith.index_cast %add3A_1005 : i32 to index
      %get3A_1007 = tpu.vector_load %arg6[%get3A_1006] {strides = array<i32>} : memref<13312xi32, #tpu.memory_space<vmem>>, vector<16xi32>,
      %add3A_1008 = arith.addi %get3A_1003, %get3A_1007 : vector<16xi32>
      tpu.vector_store_idx %arg9[%add3A_1008], %broadcast_in_dim3A_868 : memref<41600xf32, #tpu.memory_space<vmem>>[vector<16xi32>], vector<16xf32>,
      %get3A_1009 = arith.constant 320 : index
      %get3A_1010 = tpu.vector_load %arg7[%get3A_1009] {strides = array<i32>} : memref<416xi32, #tpu.memory_space<vmem>>, vector<16xi32>,
      %add3A_1011 = arith.constant 320 : i32
      %add3A_1012 = arith.addi %mul3A_866, %add3A_1011 : i32
      %get3A_1013 = arith.index_cast %add3A_1012 : i32 to index
      %get3A_1014 = tpu.vector_load %arg6[%get3A_1013] {strides = array<i32>} : memref<13312xi32, #tpu.memory_space<vmem>>, vector<16xi32>,
      %add3A_1015 = arith.addi %get3A_1010, %get3A_1014 : vector<16xi32>
      tpu.vector_store_idx %arg9[%add3A_1015], %broadcast_in_dim3A_868 : memref<41600xf32, #tpu.memory_space<vmem>>[vector<16xi32>], vector<16xf32>,
      %get3A_1016 = arith.constant 336 : index
      %get3A_1017 = tpu.vector_load %arg7[%get3A_1016] {strides = array<i32>} : memref<416xi32, #tpu.memory_space<vmem>>, vector<16xi32>,
      %add3A_1018 = arith.constant 336 : i32
      %add3A_1019 = arith.addi %mul3A_866, %add3A_1018 : i32
      %get3A_1020 = arith.index_cast %add3A_1019 : i32 to index
      %get3A_1021 = tpu.vector_load %arg6[%get3A_1020] {strides = array<i32>} : memref<13312xi32, #tpu.memory_space<vmem>>, vector<16xi32>,
      %add3A_1022 = arith.addi %get3A_1017, %get3A_1021 : vector<16xi32>
      tpu.vector_store_idx %arg9[%add3A_1022], %broadcast_in_dim3A_868 : memref<41600xf32, #tpu.memory_space<vmem>>[vector<16xi32>], vector<16xf32>,
      %get3A_1023 = arith.constant 352 : index
      %get3A_1024 = tpu.vector_load %arg7[%get3A_1023] {strides = array<i32>} : memref<416xi32, #tpu.memory_space<vmem>>, vector<16xi32>,
      %add3A_1025 = arith.constant 352 : i32
      %add3A_1026 = arith.addi %mul3A_866, %add3A_1025 : i32
      %get3A_1027 = arith.index_cast %add3A_1026 : i32 to index
      %get3A_1028 = tpu.vector_load %arg6[%get3A_1027] {strides = array<i32>} : memref<13312xi32, #tpu.memory_space<vmem>>, vector<16xi32>,
      %add3A_1029 = arith.addi %get3A_1024, %get3A_1028 : vector<16xi32>
      tpu.vector_store_idx %arg9[%add3A_1029], %broadcast_in_dim3A_868 : memref<41600xf32, #tpu.memory_space<vmem>>[vector<16xi32>], vector<16xf32>,
      %get3A_1030 = arith.constant 368 : index
      %get3A_1031 = tpu.vector_load %arg7[%get3A_1030] {strides = array<i32>} : memref<416xi32, #tpu.memory_space<vmem>>, vector<16xi32>,
      %add3A_1032 = arith.constant 368 : i32
      %add3A_1033 = arith.addi %mul3A_866, %add3A_1032 : i32
      %get3A_1034 = arith.index_cast %add3A_1033 : i32 to index
      %get3A_1035 = tpu.vector_load %arg6[%get3A_1034] {strides = array<i32>} : memref<13312xi32, #tpu.memory_space<vmem>>, vector<16xi32>,
      %add3A_1036 = arith.addi %get3A_1031, %get3A_1035 : vector<16xi32>
      tpu.vector_store_idx %arg9[%add3A_1036], %broadcast_in_dim3A_868 : memref<41600xf32, #tpu.memory_space<vmem>>[vector<16xi32>], vector<16xf32>,
      %get3A_1037 = arith.constant 384 : index
      %get3A_1038 = tpu.vector_load %arg7[%get3A_1037] {strides = array<i32>} : memref<416xi32, #tpu.memory_space<vmem>>, vector<16xi32>,
      %add3A_1039 = arith.constant 384 : i32
      %add3A_1040 = arith.addi %mul3A_866, %add3A_1039 : i32
      %get3A_1041 = arith.index_cast %add3A_1040 : i32 to index
      %get3A_1042 = tpu.vector_load %arg6[%get3A_1041] {strides = array<i32>} : memref<13312xi32, #tpu.memory_space<vmem>>, vector<16xi32>,
      %add3A_1043 = arith.addi %get3A_1038, %get3A_1042 : vector<16xi32>
      tpu.vector_store_idx %arg9[%add3A_1043], %broadcast_in_dim3A_868 : memref<41600xf32, #tpu.memory_space<vmem>>[vector<16xi32>], vector<16xf32>,
      %get3A_1044 = arith.constant 400 : index
      %get3A_1045 = tpu.vector_load %arg7[%get3A_1044] {strides = array<i32>} : memref<416xi32, #tpu.memory_space<vmem>>, vector<16xi32>,
      %add3A_1046 = arith.constant 400 : i32
      %add3A_1047 = arith.addi %mul3A_866, %add3A_1046 : i32
      %get3A_1048 = arith.index_cast %add3A_1047 : i32 to index
      %get3A_1049 = tpu.vector_load %arg6[%get3A_1048] {strides = array<i32>} : memref<13312xi32, #tpu.memory_space<vmem>>, vector<16xi32>,
      %add3A_1050 = arith.addi %get3A_1045, %get3A_1049 : vector<16xi32>
      tpu.vector_store_idx %arg9[%add3A_1050], %broadcast_in_dim3A_868 : memref<41600xf32, #tpu.memory_space<vmem>>[vector<16xi32>], vector<16xf32>,
      %mul3A_1051 = arith.constant 41600 : i32
      %mul3A_1052 = arith.muli %add3A_674, %mul3A_1051 : i32
      %add3A_1053 = arith.addi %mul3A_2, %mul3A_1052 : i32
      %dma_start3A_1054 = tpu.memref_slice %arg5[%add3A_1053] : memref<42598400xf32, #tpu.memory_space<hbm>> -> memref<41600xf32, #tpu.memory_space<hbm>>
      %dma_start3A_1055 = tpu.memref_slice %arg5[%add3A_1053] : memref<42598400xf32, #tpu.memory_space<hbm>> -> memref<41600xf32, #tpu.memory_space<hbm>>
      tpu.enqueue_dma source(%arg9 : memref<41600xf32, #tpu.memory_space<vmem>>) target(%dma_start3A_1055 : memref<41600xf32, #tpu.memory_space<hbm>>) target_semaphore(%arg12 : memref<!tpu.dma_semaphore, #tpu.memory_space<semaphore_mem>>)
    }
    %scan3A_281 = arith.constant 15 : i32
    %dma_wait3A_282 = tpu.memref_slice %arg5[%mul3A_2] : memref<42598400xf32, #tpu.memory_space<hbm>> -> memref<41600xf32, #tpu.memory_space<hbm>>
    %dma_wait3A_283 = tpu.memref_slice %arg5[%mul3A_2] : memref<42598400xf32, #tpu.memory_space<hbm>> -> memref<41600xf32, #tpu.memory_space<hbm>>
    tpu.wait_dma2 semaphore(%arg11 : memref<!tpu.dma_semaphore, #tpu.memory_space<semaphore_mem>>) src(%arg8 : memref<41600xf32, #tpu.memory_space<vmem>>) dst(%dma_wait3A_283 : memref<41600xf32, #tpu.memory_space<hbm>>)
    %dma_wait3A_284 = tpu.memref_slice %arg5[%mul3A_2] : memref<42598400xf32, #tpu.memory_space<hbm>> -> memref<41600xf32, #tpu.memory_space<hbm>>
    %dma_wait3A_285 = tpu.memref_slice %arg5[%mul3A_2] : memref<42598400xf32, #tpu.memory_space<hbm>> -> memref<41600xf32, #tpu.memory_space<hbm>>
    tpu.wait_dma2 semaphore(%arg12 : memref<!tpu.dma_semaphore, #tpu.memory_space<semaphore_mem>>) src(%arg9 : memref<41600xf32, #tpu.memory_space<vmem>>) dst(%dma_wait3A_285 : memref<41600xf32, #tpu.memory_space<hbm>>)
    return
  }
}

</mosaic_0001>

<sc_bundles>
// kernel: kernel.3.cloned.1.call-start
scs
__scs_entry_jumppad:
0x0: {  	(pc) =	sbr.rel $0x88, $3  }
0x1: {  	(tag) =	ssettag $0x0;
	lr =	simm.s32 $0x1  }
0x2: {  	[smem:$0x3FA0] =	sst lr;
	_ =	strace $0xD0000000  }
0x3: {  	_ = 	snop  }
0x4: {  	_ = 	snop  }
0x5: {  	_ = 	snop  }
0x6: {  	_ = 	snop  }
0x7: {  	_ = 	snop  }
__scs_overlays_trampoline_lowered:
0x8: {  	[smem:$0x3FAF] =	sst s0  }
0x9: {  	[smem:$0x3FB0] =	sst s1  }
0xa: {  	[smem:$0x3FB1] =	sst s2  }
0xb: {  	[smem:$0x3FB2] =	sst s3  }
0xc: {  	[smem:$0x3FB3] =	sst s4  }
0xd: {  	[smem:$0x3FB4] =	sst s5  }
0xe: {  	[smem:$0x3FB5] =	sst s6  }
0xf: {  	[smem:$0x3FB6] =	sst s7  }
0x10: {  	[smem:$0x3FB7] =	sst s8  }
0x11: {  	[smem:$0x3FB8] =	sst s9;
	s0 =	simm.s32 @!p0 $0x0  }
0x12: {  	s1 =	sld [smem:$0x3F9E];
	s0 =	simm.s32 @p0 $0x1  }
0x13: {  	[smem:$0x3FB9] =	sst s0;
	s0 =	simm.s32 @!p1 $0x0  }
0x14: {  	s2 =	sld [smem:$0x3F9D];
	s0 =	simm.s32 @p1 $0x1  }
0x15: {  	[smem:$0x3FBA] =	sst s0;
	s0 =	simm.s32 @!p2 $0x0  }
0x16: {  	s3 =	sld [smem:$0x3FDB];
	s0 =	simm.s32 @p2 $0x1  }
0x17: {  	s4 =	simm.s32 $0x1BF5;
	[smem:$0x3FBC] =	sst s0  }
0x18: {  	s0 =	sld [smem:$0x3F9F];
	_ =	swait.ge [sflag:s4], $0x0  }
0x19: {  	s7 =	sld [smem:$0x3FA0]  }
0x1a: {  	s8 =	sadd.s32 $0xFFFFE003, lr  }
0x1b: {  	s9 =	sadd.s32 $0xFFFFFEF7, lr;
	s5 =	simm.s32 $0xFFFFFFFF;
	p2 =	slt.u32 s8, $0xFFFFF086  }
0x1c: {  	p1 =	slt.u32 s9, $0xF7A;
	s5 =	simm.s32 @!p2 $0x0  }
0x1d: {  	s5 =	simm.s32 @p1 $0x1;
	p0 =	seq.s32 s7, s2  }
0x1e: {  	s7 =	smul.u32 @!p0 $0xF7A, s2;
	p2 =	seq.s32 @!p0 s5, $0x0  }
0x1f: {  	s9 =	smul.u32 $0xF7A, s1;
	s8 =	simm.s32 @!p0 $0x1BF5;
	p2 =	por !p2, p0  }
0x20: {  	[sflag:s8] =	ssyncset.s32 @!p0 $0xFFFFF086;
	s6 =	sadd.s32 @!p0 s3, s7;
	s7 =	simm.s32 @!p0 $0x108  }
0x21: {  	s3 =	sadd.s32 s3, s9;
	s6 =	sadd.s32 @!p0 $0x88, s6;
	s7 =	simm.s32 @p2 $0x1082  }
0x22: {  	[simem:s7], [sflag:s8] =	dma.local @!p0 [hbm:s6], $0xF7A  }
0x23: {  	s9 =	sor.u32 $0xD0000000, s2;
	s6 =	simm.s32 $0x108;
	_ =	swait.ge @!p0 [sflag:s8], $0x0  }
0x24: {  	s3 =	sadd.s32 $0x88, s3;
	s6 =	simm.s32 @!p1 $0x1082;
	[sflag:s4] =	ssyncset.s32 $0xFFFFF086  }
0x25: {  	[simem:s6], [sflag:s4] =	dma.local [hbm:s3], $0xF7A  }
0x26: {  	[smem:$0x3FA0] =	sst s1;
	(tag) =	ssettag s2;
	_ =	strace s9  }
0x27: {  	s1 =	sld [smem:$0x3FB0]  }
0x28: {  	s2 =	sld [smem:$0x3FB1]  }
0x29: {  	s4 =	sld [smem:$0x3FB3]  }
0x2a: {  	p0 =	seq.s32 s5, $0x0;
	s5 =	sld [smem:$0x3FB4]  }
0x2b: {  	s6 =	sld [smem:$0x3FB5]  }
0x2c: {  	s7 =	sld [smem:$0x3FB6]  }
0x2d: {  	s3 =	simm.s32 $0x108;
	s8 =	sld [smem:$0x3FB7]  }
0x2e: {  	s3 =	simm.s32 @!p0 $0x1082;
	s9 =	sld [smem:$0x3FB8]  }
0x2f: {  	lr =	sadd.s32 s0, s3;
	s0 =	sld [smem:$0x3FAF]  }
0x30: {  	s3 =	sld [smem:$0x3FB2]  }
0x31: {  	[smem:$0x3FBB] =	sst s10  }
0x32: {  	s10 =	sld [smem:$0x3FB9];
	_ =	sdelay $0x3  }
0x33: {  	p0 =	seq.s32 s10, $0x1;
	s10 =	sld [smem:$0x3FBB];
	_ =	sdelay $0x3  }
0x34: {  	[smem:$0x3FBB] =	sst s10  }
0x35: {  	s10 =	sld [smem:$0x3FBA];
	_ =	sdelay $0x3  }
0x36: {  	p1 =	seq.s32 s10, $0x1;
	s10 =	sld [smem:$0x3FBB];
	_ =	sdelay $0x3  }
0x37: {  	[smem:$0x3FBB] =	sst s10  }
0x38: {  	s10 =	sld [smem:$0x3FBC]  }
0x39: {  	_ = 	snop;
	(pc) =	sbr.ind lr, $3  }
0x3a: {  	_ = 	snop  }
0x3b: {  	_ = 	snop  }
0x3c: {  	p2 =	seq.s32 s10, $0x1;
	s10 =	sld [smem:$0x3FBB]  }
0x3d: {  	_ =	shalt  }
0x3e: {  	_ =	shalt  }
0x3f: {  	_ =	shalt  }
0x40: {  	_ =	shalt  }
0x41: {  	_ =	shalt  }
0x42: {  	_ =	shalt  }
0x43: {  	_ =	shalt  }
0x44: {  	_ =	shalt  }
0x45: {  	_ =	shalt  }
0x46: {  	_ =	shalt  }
0x47: {  	_ =	shalt  }
0x48: {  	_ =	shalt  }
0x49: {  	_ =	shalt  }
0x4a: {  	_ =	shalt  }
0x4b: {  	_ =	shalt  }
0x4c: {  	_ =	shalt  }
0x4d: {  	_ =	shalt  }
0x4e: {  	_ =	shalt  }
0x4f: {  	_ =	shalt  }
0x50: {  	_ =	shalt  }
0x51: {  	_ =	shalt  }
0x52: {  	_ =	shalt  }
0x53: {  	_ =	shalt  }
0x54: {  	_ =	shalt  }
0x55: {  	_ =	shalt  }
0x56: {  	_ =	shalt  }
0x57: {  	_ =	shalt  }
0x58: {  	_ =	shalt  }
0x59: {  	_ =	shalt  }
0x5a: {  	_ =	shalt  }
0x5b: {  	_ =	shalt  }
0x5c: {  	_ =	shalt  }
0x5d: {  	_ =	shalt  }
0x5e: {  	_ =	shalt  }
0x5f: {  	_ =	shalt  }
0x60: {  	_ =	shalt  }
0x61: {  	_ =	shalt  }
0x62: {  	_ =	shalt  }
0x63: {  	_ =	shalt  }
0x64: {  	_ =	shalt  }
0x65: {  	_ =	shalt  }
0x66: {  	_ =	shalt  }
0x67: {  	_ =	shalt  }
0x68: {  	_ =	shalt  }
0x69: {  	_ =	shalt  }
0x6a: {  	_ =	shalt  }
0x6b: {  	_ =	shalt  }
0x6c: {  	_ =	shalt  }
0x6d: {  	_ =	shalt  }
0x6e: {  	_ =	shalt  }
0x6f: {  	_ =	shalt  }
0x70: {  	_ =	shalt  }
0x71: {  	_ =	shalt  }
0x72: {  	_ =	shalt  }
0x73: {  	_ =	shalt  }
0x74: {  	_ =	shalt  }
0x75: {  	_ =	shalt  }
0x76: {  	_ =	shalt  }
0x77: {  	_ =	shalt  }
0x78: {  	_ =	shalt  }
0x79: {  	_ =	shalt  }
0x7a: {  	_ =	shalt  }
0x7b: {  	_ =	shalt  }
0x7c: {  	_ =	shalt  }
0x7d: {  	_ =	shalt  }
0x7e: {  	_ =	shalt  }
0x7f: {  	_ =	shalt  }
0x80: {  	_ =	shalt  }
0x81: {  	_ =	shalt  }
0x82: {  	_ =	shalt  }
0x83: {  	_ =	shalt  }
0x84: {  	_ =	shalt  }
0x85: {  	_ =	shalt  }
0x86: {  	_ =	shalt  }
0x87: {  	_ =	shalt  }
.Lfunc_end0:
.L_simem_size_0:
called_computation.1_lowered:
.L_overlay_start_0:
0x88: {  	s2 =	sld [smem:$0x3FD9]  }
0x89: {  	s3 =	sld [smem:$0x3FFE];
	_ =	sdelay $0x1  }
0x8a: {  	s1 =	srdreg.scid  }
0x8b: {  	s0 =	sand.u32 $0x1, s1  }
0x8c: {  	s17 =	sshll.u32 s0, $0xA;
	s2 =	sadd.s32 s3, s2  }
0x8d: {  	s2 =	sadd.s32 s2, s17  }
0x8e: {  	[smem:$0x3FC7] =	sst s2  }
0x8f: {  	_ = 	snop  }
0x90: {  	s2 =	sld [smem:$0x3FD0];
	(tm) =	ssettm $0x1  }
0x91: {  	s18 =	sld [smem:$0x3FFB];
	_ =	sdelay $0x3  }
0x92: {  	_ =	strace s18  }
0x93: {  	s3 =	sld [smem:$0x3FFC];
	_ =	sdelay $0x3  }
0x94: {  	_ =	strace s3  }
0x95: {  	s3 =	sld [smem:$0x3FFD];
	_ =	sdelay $0x3  }
0x96: {  	_ =	strace s3  }
0x97: {  	_ =	strace $0x8FFFFFFF  }
0x98: {  	s19 =	sld [smem:$0x3FDB];
	_ =	sdelay $0x1  }
0x99: {  	s4 =	simm.s32 $_scs_section_size  }
0x9a: {  	s5 =	simm.s32 $_size__tile_overlayer_lowered;
	s6 =	simm.s32 $_tile_overlayer_lowered  }
0x9b: {  	s22 =	simm.s32 $0x1BFF;
	s21 =	sshll.u32 s6, $0x1;
	s3 =	sadd.s32 s4, s19  }
0x9c: {  	s7 =	simm.s32 $0x0;
	s20 =	sshll.u32 s5, $0x1;
	s5 =	sadd.s32 s21, s3  }
0x9d: {  	[timem:s7], [sflag:s22] =	dma.local [hbm:s5], s20  }
0x9e: {  	_ =	swait.ge [sflag:s22], s20  }
0x9f: {  	s4 =	ssub.s32 $0x0, s20;
	[sflag:s22] =	ssyncset.done $0x0  }
0xa0: {  	[sflag:s22] =	ssyncadd.s32 s4;
	_ =	sdelay $0x1  }
0xa1: {  	s23 =	simm.s32 $0x1B8B  }
0xa2: {  	_ =	swait.ge [sflag:s23], $0x1  }
0xa3: {  	[sflag:s23] =	ssyncset.done $0x0  }
0xa4: {  	s25 =	simm.s32 $0x1B8E;
	s24 =	sld [smem:$0x3FFE];
	[sflag:s23] =	ssyncadd.s32 $0xFFFFFFFF  }
0xa5: {  	s26 =	simm.s32 $execute0_lowered;
	[smem:$0x3FD2] =	sst s25  }
0xa6: {  	s5 =	sshll.u32 s26, $0x1;
	_ =	strace $0x80000046;
	[dreg:$0x1] =	wrdreg $0xFFFFFFFF  }
0xa7: {  	s28 =	simm.s32 $_size_execute0_lowered;
	s3 =	sadd.s32 s3, s5;
	[dreg:$0x0] =	wrdreg $0x0  }
0xa8: {  	s5 =	sshll.u32 s28, $0x1;
	[dreg:$0x2] =	wrdreg s3  }
0xa9: {  	[dreg:$0x3] =	wrdreg s5  }
0xaa: {  	[dreg:$0x4] =	wrdreg $0xC0  }
0xab: {  	_ =	task [dreg:s7], $0x5FFFF  }
0xac: {  	[dreg:$0x1] =	wrdreg $0xFFFFFFFF  }
0xad: {  	[dreg:$0x0] =	wrdreg $0x60  }
0xae: {  	[dreg:$0x2] =	wrdreg s24  }
0xaf: {  	[dreg:$0x3] =	wrdreg s2  }
0xb0: {  	[dreg:$0x4] =	wrdreg $0x9  }
0xb1: {  	_ =	task.clear_ibuf [dreg:s7], $0x5FFFF;
	_ =	strace $0x90000046  }
0xb2: {  	s29 =	simm.s32 $0x9;
	_ =	strace $0x80000048  }
0xb3: {  	_ =	swait.ge [sflag:s29], $0x1  }
0xb4: {  	[sflag:s29] =	ssyncadd.s32 $0xFFFFFFFF  }
0xb5: {  	_ =	strace $0x90000048  }
0xb6: {  	_ =	sfence  }
0xb7: {  	s30 =	sld [smem:$0x0];
	_ =	sdelay $0x2  }
0xb8: {  	s31 =	sshll.u32 s1, $0xD;
	s1 =	sshrl.u32 s1, $0x2  }
0xb9: {  	s3 =	sand.u32 $0x4000, s31;
	s1 =	sadd.s32 s1, s30  }
0xba: {  	s0 =	sor.u32 s3, s0;
	s1 =	sshll.u32 s1, $0x11  }
0xbb: {  	s0 =	sor.u32 s1, s0  }
0xbc: {  	s0 =	sadd.s32 $0x8F2B, s0  }
0xbd: {  	[sflag:s0] =	ssyncadd.remote.s32 $0x1  }
0xbe: {  	_ =	sfence.sel $0xFFFF  }
0xbf: {  	[dreg:$0x0] =	wrdreg $0xFFFFFFFF;
	(pc) =	sbr.abs _section_cstart, $3  }
0xc0: {  	[dreg:$0x1] =	wrdreg $0xFFFFFFFF  }
0xc1: {  	_ =	task.clear_ibuf [dreg:s7], $0x2FFFF;
	_ =	strace $0x9FFFFFFF  }
0xc2: {  	(tm) =	ssettm $0x7FFFFFFF  }
0xc3: {  	_ =	shalt  }
tec
execute0_lowered:
.L_overlay_start_1:
0x0: {  	(tag) =	ssettag $0x1  }
0x1: {  	s1 =	srdreg.scid;
	s5 =	rddreg [dreg:$0x0]  }
0x2: {  	s0 =	stileid.u32;
	s2 =	rddreg [dreg:$0x1];
	s3 =	simm.s32 $0x0  }
0x3: {  	s12 =	simm.s32 $0x3400;
	s13 =	simm.s32 $0x3600;
	s14 =	simm.s32 $0xD880  }
0x4: {  	s15 =	simm.s32 $0x1;
	s16 =	simm.s32 $0x2;
	s17 =	simm.s32 $0x3  }
0x5: {  	s18 =	simm.s32 $0x0;
	s4 =	sand.u32 $0x1, s1;
	s1 =	rddreg [dreg:$0x2]  }
0x6: {  	s29 =	sshll.u32 s0, $0x1;
	[smem:$0x7FF] =	sst s3;
	s8 =	smul.u32 $0x28A000, s0  }
0x7: {  	s6 =	sor.u32 s4, s29;
	s9 =	ssub.s32 $0x2, s4;
	s10 =	smul.u32 $0x145000, s4  }
0x8: {  	_ =	strace $0x80000047;
	s7 =	smul.u32 $0x680, s6;
	s11 =	sshrl.u32 s9, $0x1  }
0x9: {  	s4 =	sadd.s32 $0x800, s5;
	s6 =	smul.u32 $0x145000, s6;
	s9 =	ssub.s32 s9, s11  }
0xa: {  	s10 =	sadd.s32 s10, s8;
	s7 =	sadd.s32 s7, s5;
	s5 =	sadd.s32 $0xDA00, s5  }
0xb: {  	s30 =	sshrl.u32 s6, $0x3;
	s31 =	sadd.s32 $0x1E780, s10;
	s9 =	smax.u32 s9, $0x1  }
0xc: {  	s6 =	sadd.s32 $0xA00, s7;
	s7 =	sadd.s32 s2, s30;
	s11 =	sshrl.u32 s31, $0x3  }
0xd: {  	v0 =	vimm.f32 $1.000000000e+00;
	v1 =	vimm.f32 $0.0e+00;
	s10 =	sadd.s32 $0x14500, s10;
	s8 =	sadd.s32 $0x1450, s7;
	s11 =	sadd.s32 s11, s2  }
.LBB2_1:
0xe: {  	[tilespmem:s3], [sflag:$0x1] =	stream.linear.gather [hbm4b:s6+s3], $0x3400, $0x38;
	[tilespmem:$0x17B00] =	vst v63  }
0xf: {  	_ = 	snop  }
0x10: {  	[tilespmem:s12], [sflag:$0x1] =	stream.linear.gather [hbm4b:s4+s3], $0x200, $0x38;
	[tilespmem:$0x17B00] =	vst v63  }
0x11: {  	_ = 	snop  }
0x12: {  	[tilespmem:s13], [sflag:$0x2] =	stream.linear.gather [hbm4b:s5+s3], $0xA280, $0x38;
	[tilespmem:$0x17B00] =	vst v63  }
0x13: {  	_ = 	snop  }
0x14: {  	[tilespmem:s14], [sflag:$0x3] =	stream.linear.gather [hbm4b:s5+s3], $0xA280, $0x38;
	[tilespmem:$0x17B00] =	vst v63  }
0x15: {  	_ =	swait.ge [sflag:s15], $0x3400  }
0x16: {  	[sflag:s15] =	ssyncset.done $0x0  }
0x17: {  	[sflag:s15] =	ssyncadd.s32 $0xFFFFCC00  }
0x18: {  	_ =	swait.ge [sflag:s15], $0x200  }
0x19: {  	[sflag:s15] =	ssyncset.done $0x0  }
0x1a: {  	[sflag:s15] =	ssyncadd.s32 $0xFFFFFE00  }
0x1b: {  	_ =	swait.ge [sflag:s16], $0xA280  }
0x1c: {  	[sflag:s16] =	ssyncset.done $0x0  }
0x1d: {  	[sflag:s16] =	ssyncadd.s32 $0xFFFF5D80  }
0x1e: {  	_ =	swait.ge [sflag:s17], $0xA280  }
0x1f: {  	[sflag:s17] =	ssyncset.done $0x0  }
0x20: {  	[sflag:s17] =	ssyncadd.s32 $0xFFFF5D80  }
0x21: {  	v2 =	vld [tilespmem:$0x3400]  }
0x22: {  	v3 =	vld [tilespmem:$0x0];
	_ =	sdelay $0x4  }
0x23: {  	v2 =	vadd.s32 v2, v3;
	_ =	sdelay $0x4  }
0x24: {  	[tilespmem:v2+s13+$0x0] =	vst.idx.msk $0xffff, v0  }
0x25: {  	v2 =	vld [tilespmem:$0x3410]  }
0x26: {  	v3 =	vld [tilespmem:$0x10];
	_ =	sdelay $0x4  }
0x27: {  	v2 =	vadd.s32 v2, v3;
	_ =	sdelay $0x4  }
0x28: {  	[tilespmem:v2+s13+$0x0] =	vst.idx.msk $0xffff, v0  }
0x29: {  	v2 =	vld [tilespmem:$0x3420]  }
0x2a: {  	v3 =	vld [tilespmem:$0x20];
	_ =	sdelay $0x4  }
0x2b: {  	v2 =	vadd.s32 v2, v3;
	_ =	sdelay $0x4  }
0x2c: {  	[tilespmem:v2+s13+$0x0] =	vst.idx.msk $0xffff, v0  }
0x2d: {  	v2 =	vld [tilespmem:$0x3430]  }
0x2e: {  	v3 =	vld [tilespmem:$0x30];
	_ =	sdelay $0x4  }
0x2f: {  	v2 =	vadd.s32 v2, v3;
	_ =	sdelay $0x4  }
0x30: {  	[tilespmem:v2+s13+$0x0] =	vst.idx.msk $0xffff, v0  }
0x31: {  	v2 =	vld [tilespmem:$0x3440]  }
0x32: {  	v3 =	vld [tilespmem:$0x40];
	_ =	sdelay $0x4  }
0x33: {  	v2 =	vadd.s32 v2, v3;
	_ =	sdelay $0x4  }
0x34: {  	[tilespmem:v2+s13+$0x0] =	vst.idx.msk $0xffff, v0  }
0x35: {  	v2 =	vld [tilespmem:$0x3450]  }
0x36: {  	v3 =	vld [tilespmem:$0x50];
	_ =	sdelay $0x4  }
0x37: {  	v2 =	vadd.s32 v2, v3;
	_ =	sdelay $0x4  }
0x38: {  	[tilespmem:v2+s13+$0x0] =	vst.idx.msk $0xffff, v0  }
0x39: {  	v2 =	vld [tilespmem:$0x3460]  }
0x3a: {  	v3 =	vld [tilespmem:$0x60];
	_ =	sdelay $0x4  }
0x3b: {  	v2 =	vadd.s32 v2, v3;
	_ =	sdelay $0x4  }
0x3c: {  	[tilespmem:v2+s13+$0x0] =	vst.idx.msk $0xffff, v0  }
0x3d: {  	v2 =	vld [tilespmem:$0x3470]  }
0x3e: {  	v3 =	vld [tilespmem:$0x70];
	_ =	sdelay $0x4  }
0x3f: {  	v2 =	vadd.s32 v2, v3;
	_ =	sdelay $0x4  }
0x40: {  	[tilespmem:v2+s13+$0x0] =	vst.idx.msk $0xffff, v0  }
0x41: {  	v2 =	vld [tilespmem:$0x3480]  }
0x42: {  	v3 =	vld [tilespmem:$0x80];
	_ =	sdelay $0x4  }
0x43: {  	v2 =	vadd.s32 v2, v3;
	_ =	sdelay $0x4  }
0x44: {  	[tilespmem:v2+s13+$0x0] =	vst.idx.msk $0xffff, v0  }
0x45: {  	v2 =	vld [tilespmem:$0x3490]  }
0x46: {  	v3 =	vld [tilespmem:$0x90];
	_ =	sdelay $0x4  }
0x47: {  	v2 =	vadd.s32 v2, v3;
	_ =	sdelay $0x4  }
0x48: {  	[tilespmem:v2+s13+$0x0] =	vst.idx.msk $0xffff, v0  }
0x49: {  	v2 =	vld [tilespmem:$0x34A0]  }
0x4a: {  	v3 =	vld [tilespmem:$0xA0];
	_ =	sdelay $0x4  }
0x4b: {  	v2 =	vadd.s32 v2, v3;
	_ =	sdelay $0x4  }
0x4c: {  	[tilespmem:v2+s13+$0x0] =	vst.idx.msk $0xffff, v0  }
0x4d: {  	v2 =	vld [tilespmem:$0x34B0]  }
0x4e: {  	v3 =	vld [tilespmem:$0xB0];
	_ =	sdelay $0x4  }
0x4f: {  	v2 =	vadd.s32 v2, v3;
	_ =	sdelay $0x4  }
0x50: {  	[tilespmem:v2+s13+$0x0] =	vst.idx.msk $0xffff, v0  }
0x51: {  	v2 =	vld [tilespmem:$0x34C0]  }
0x52: {  	v3 =	vld [tilespmem:$0xC0];
	_ =	sdelay $0x4  }
0x53: {  	v2 =	vadd.s32 v2, v3;
	_ =	sdelay $0x4  }
0x54: {  	[tilespmem:v2+s13+$0x0] =	vst.idx.msk $0xffff, v0  }
0x55: {  	v2 =	vld [tilespmem:$0x34D0]  }
0x56: {  	v3 =	vld [tilespmem:$0xD0];
	_ =	sdelay $0x4  }
0x57: {  	v2 =	vadd.s32 v2, v3;
	_ =	sdelay $0x4  }
0x58: {  	[tilespmem:v2+s13+$0x0] =	vst.idx.msk $0xffff, v0  }
0x59: {  	v2 =	vld [tilespmem:$0x34E0]  }
0x5a: {  	v3 =	vld [tilespmem:$0xE0];
	_ =	sdelay $0x4  }
0x5b: {  	v2 =	vadd.s32 v2, v3;
	_ =	sdelay $0x4  }
0x5c: {  	[tilespmem:v2+s13+$0x0] =	vst.idx.msk $0xffff, v0  }
0x5d: {  	v2 =	vld [tilespmem:$0x34F0]  }
0x5e: {  	v3 =	vld [tilespmem:$0xF0];
	_ =	sdelay $0x4  }
0x5f: {  	v2 =	vadd.s32 v2, v3;
	_ =	sdelay $0x4  }
0x60: {  	[tilespmem:v2+s13+$0x0] =	vst.idx.msk $0xffff, v0  }
0x61: {  	v2 =	vld [tilespmem:$0x3500]  }
0x62: {  	v3 =	vld [tilespmem:$0x100];
	_ =	sdelay $0x4  }
0x63: {  	v2 =	vadd.s32 v2, v3;
	_ =	sdelay $0x4  }
0x64: {  	[tilespmem:v2+s13+$0x0] =	vst.idx.msk $0xffff, v0  }
0x65: {  	v2 =	vld [tilespmem:$0x3510]  }
0x66: {  	v3 =	vld [tilespmem:$0x110];
	_ =	sdelay $0x4  }
0x67: {  	v2 =	vadd.s32 v2, v3;
	_ =	sdelay $0x4  }
0x68: {  	[tilespmem:v2+s13+$0x0] =	vst.idx.msk $0xffff, v0  }
0x69: {  	v2 =	vld [tilespmem:$0x3520]  }
0x6a: {  	v3 =	vld [tilespmem:$0x120];
	_ =	sdelay $0x4  }
0x6b: {  	v2 =	vadd.s32 v2, v3;
	_ =	sdelay $0x4  }
0x6c: {  	[tilespmem:v2+s13+$0x0] =	vst.idx.msk $0xffff, v0  }
0x6d: {  	v2 =	vld [tilespmem:$0x3530]  }
0x6e: {  	v3 =	vld [tilespmem:$0x130];
	_ =	sdelay $0x4  }
0x6f: {  	v2 =	vadd.s32 v2, v3;
	_ =	sdelay $0x4  }
0x70: {  	[tilespmem:v2+s13+$0x0] =	vst.idx.msk $0xffff, v0  }
0x71: {  	v2 =	vld [tilespmem:$0x3540]  }
0x72: {  	v3 =	vld [tilespmem:$0x140];
	_ =	sdelay $0x4  }
0x73: {  	v2 =	vadd.s32 v2, v3;
	_ =	sdelay $0x4  }
0x74: {  	[tilespmem:v2+s13+$0x0] =	vst.idx.msk $0xffff, v0  }
0x75: {  	v2 =	vld [tilespmem:$0x3550]  }
0x76: {  	v3 =	vld [tilespmem:$0x150];
	_ =	sdelay $0x4  }
0x77: {  	v2 =	vadd.s32 v2, v3;
	_ =	sdelay $0x4  }
0x78: {  	[tilespmem:v2+s13+$0x0] =	vst.idx.msk $0xffff, v0  }
0x79: {  	v2 =	vld [tilespmem:$0x3560]  }
0x7a: {  	v3 =	vld [tilespmem:$0x160];
	_ =	sdelay $0x4  }
0x7b: {  	v2 =	vadd.s32 v2, v3;
	_ =	sdelay $0x4  }
0x7c: {  	[tilespmem:v2+s13+$0x0] =	vst.idx.msk $0xffff, v0  }
0x7d: {  	v2 =	vld [tilespmem:$0x3570]  }
0x7e: {  	v3 =	vld [tilespmem:$0x170];
	_ =	sdelay $0x4  }
0x7f: {  	v2 =	vadd.s32 v2, v3;
	_ =	sdelay $0x4  }
0x80: {  	[tilespmem:v2+s13+$0x0] =	vst.idx.msk $0xffff, v0  }
0x81: {  	v2 =	vld [tilespmem:$0x3580]  }
0x82: {  	v3 =	vld [tilespmem:$0x180];
	_ =	sdelay $0x4  }
0x83: {  	v2 =	vadd.s32 v2, v3;
	_ =	sdelay $0x4  }
0x84: {  	[tilespmem:v2+s13+$0x0] =	vst.idx.msk $0xffff, v0  }
0x85: {  	v2 =	vld [tilespmem:$0x3590]  }
0x86: {  	v3 =	vld [tilespmem:$0x190];
	_ =	sdelay $0x4  }
0x87: {  	v2 =	vadd.s32 v2, v3;
	_ =	sdelay $0x4  }
0x88: {  	[tilespmem:v2+s13+$0x0] =	vst.idx.msk $0xffff, v0  }
0x89: {  	[hbm4b:s7+s3] =	stream.linear.scatter [tilespmem:s13], [sflag:$0x2], $0xA280, $0x38;
	[tilespmem:$0x17B00] =	vst v63  }
0x8a: {  	v2 =	vld [tilespmem:$0x3400]  }
0x8b: {  	v3 =	vld [tilespmem:$0x1A0];
	_ =	sdelay $0x4  }
0x8c: {  	v2 =	vadd.s32 v2, v3;
	_ =	sdelay $0x4  }
0x8d: {  	[tilespmem:v2+s14+$0x0] =	vst.idx.msk $0xffff, v0  }
0x8e: {  	v2 =	vld [tilespmem:$0x3410]  }
0x8f: {  	v3 =	vld [tilespmem:$0x1B0];
	_ =	sdelay $0x4  }
0x90: {  	v2 =	vadd.s32 v2, v3;
	_ =	sdelay $0x4  }
0x91: {  	[tilespmem:v2+s14+$0x0] =	vst.idx.msk $0xffff, v0  }
0x92: {  	v2 =	vld [tilespmem:$0x3420]  }
0x93: {  	v3 =	vld [tilespmem:$0x1C0];
	_ =	sdelay $0x4  }
0x94: {  	v2 =	vadd.s32 v2, v3;
	_ =	sdelay $0x4  }
0x95: {  	[tilespmem:v2+s14+$0x0] =	vst.idx.msk $0xffff, v0  }
0x96: {  	v2 =	vld [tilespmem:$0x3430]  }
0x97: {  	v3 =	vld [tilespmem:$0x1D0];
	_ =	sdelay $0x4  }
0x98: {  	v2 =	vadd.s32 v2, v3;
	_ =	sdelay $0x4  }
0x99: {  	[tilespmem:v2+s14+$0x0] =	vst.idx.msk $0xffff, v0  }
0x9a: {  	v2 =	vld [tilespmem:$0x3440]  }
0x9b: {  	v3 =	vld [tilespmem:$0x1E0];
	_ =	sdelay $0x4  }
0x9c: {  	v2 =	vadd.s32 v2, v3;
	_ =	sdelay $0x4  }
0x9d: {  	[tilespmem:v2+s14+$0x0] =	vst.idx.msk $0xffff, v0  }
0x9e: {  	v2 =	vld [tilespmem:$0x3450]  }
0x9f: {  	v3 =	vld [tilespmem:$0x1F0];
	_ =	sdelay $0x4  }
0xa0: {  	v2 =	vadd.s32 v2, v3;
	_ =	sdelay $0x4  }
0xa1: {  	[tilespmem:v2+s14+$0x0] =	vst.idx.msk $0xffff, v0  }
0xa2: {  	v2 =	vld [tilespmem:$0x3460]  }
0xa3: {  	v3 =	vld [tilespmem:$0x200];
	_ =	sdelay $0x4  }
0xa4: {  	v2 =	vadd.s32 v2, v3;
	_ =	sdelay $0x4  }
0xa5: {  	[tilespmem:v2+s14+$0x0] =	vst.idx.msk $0xffff, v0  }
0xa6: {  	v2 =	vld [tilespmem:$0x3470]  }
0xa7: {  	v3 =	vld [tilespmem:$0x210];
	_ =	sdelay $0x4  }
0xa8: {  	v2 =	vadd.s32 v2, v3;
	_ =	sdelay $0x4  }
0xa9: {  	[tilespmem:v2+s14+$0x0] =	vst.idx.msk $0xffff, v0  }
0xaa: {  	v2 =	vld [tilespmem:$0x3480]  }
0xab: {  	v3 =	vld [tilespmem:$0x220];
	_ =	sdelay $0x4  }
0xac: {  	v2 =	vadd.s32 v2, v3;
	_ =	sdelay $0x4  }
0xad: {  	[tilespmem:v2+s14+$0x0] =	vst.idx.msk $0xffff, v0  }
0xae: {  	v2 =	vld [tilespmem:$0x3490]  }
0xaf: {  	v3 =	vld [tilespmem:$0x230];
	_ =	sdelay $0x4  }
0xb0: {  	v2 =	vadd.s32 v2, v3;
	_ =	sdelay $0x4  }
0xb1: {  	[tilespmem:v2+s14+$0x0] =	vst.idx.msk $0xffff, v0  }
0xb2: {  	v2 =	vld [tilespmem:$0x34A0]  }
0xb3: {  	v3 =	vld [tilespmem:$0x240];
	_ =	sdelay $0x4  }
0xb4: {  	v2 =	vadd.s32 v2, v3;
	_ =	sdelay $0x4  }
0xb5: {  	[tilespmem:v2+s14+$0x0] =	vst.idx.msk $0xffff, v0  }
0xb6: {  	v2 =	vld [tilespmem:$0x34B0]  }
0xb7: {  	v3 =	vld [tilespmem:$0x250];
	_ =	sdelay $0x4  }
0xb8: {  	v2 =	vadd.s32 v2, v3;
	_ =	sdelay $0x4  }
0xb9: {  	[tilespmem:v2+s14+$0x0] =	vst.idx.msk $0xffff, v0  }
0xba: {  	v2 =	vld [tilespmem:$0x34C0]  }
0xbb: {  	v3 =	vld [tilespmem:$0x260];
	_ =	sdelay $0x4  }
0xbc: {  	v2 =	vadd.s32 v2, v3;
	_ =	sdelay $0x4  }
0xbd: {  	[tilespmem:v2+s14+$0x0] =	vst.idx.msk $0xffff, v0  }
0xbe: {  	v2 =	vld [tilespmem:$0x34D0]  }
0xbf: {  	v3 =	vld [tilespmem:$0x270];
	_ =	sdelay $0x4  }
0xc0: {  	v2 =	vadd.s32 v2, v3;
	_ =	sdelay $0x4  }
0xc1: {  	[tilespmem:v2+s14+$0x0] =	vst.idx.msk $0xffff, v0  }
0xc2: {  	v2 =	vld [tilespmem:$0x34E0]  }
0xc3: {  	v3 =	vld [tilespmem:$0x280];
	_ =	sdelay $0x4  }
0xc4: {  	v2 =	vadd.s32 v2, v3;
	_ =	sdelay $0x4  }
0xc5: {  	[tilespmem:v2+s14+$0x0] =	vst.idx.msk $0xffff, v0  }
0xc6: {  	v2 =	vld [tilespmem:$0x34F0]  }
0xc7: {  	v3 =	vld [tilespmem:$0x290];
	_ =	sdelay $0x4  }
0xc8: {  	v2 =	vadd.s32 v2, v3;
	_ =	sdelay $0x4  }
0xc9: {  	[tilespmem:v2+s14+$0x0] =	vst.idx.msk $0xffff, v0  }
0xca: {  	v2 =	vld [tilespmem:$0x3500]  }
0xcb: {  	v3 =	vld [tilespmem:$0x2A0];
	_ =	sdelay $0x4  }
0xcc: {  	v2 =	vadd.s32 v2, v3;
	_ =	sdelay $0x4  }
0xcd: {  	[tilespmem:v2+s14+$0x0] =	vst.idx.msk $0xffff, v0  }
0xce: {  	v2 =	vld [tilespmem:$0x3510]  }
0xcf: {  	v3 =	vld [tilespmem:$0x2B0];
	_ =	sdelay $0x4  }
0xd0: {  	v2 =	vadd.s32 v2, v3;
	_ =	sdelay $0x4  }
0xd1: {  	[tilespmem:v2+s14+$0x0] =	vst.idx.msk $0xffff, v0  }
0xd2: {  	v2 =	vld [tilespmem:$0x3520]  }
0xd3: {  	v3 =	vld [tilespmem:$0x2C0];
	_ =	sdelay $0x4  }
0xd4: {  	v2 =	vadd.s32 v2, v3;
	_ =	sdelay $0x4  }
0xd5: {  	[tilespmem:v2+s14+$0x0] =	vst.idx.msk $0xffff, v0  }
0xd6: {  	v2 =	vld [tilespmem:$0x3530]  }
0xd7: {  	v3 =	vld [tilespmem:$0x2D0];
	_ =	sdelay $0x4  }
0xd8: {  	v2 =	vadd.s32 v2, v3;
	_ =	sdelay $0x4  }
0xd9: {  	[tilespmem:v2+s14+$0x0] =	vst.idx.msk $0xffff, v0  }
0xda: {  	v2 =	vld [tilespmem:$0x3540]  }
0xdb: {  	v3 =	vld [tilespmem:$0x2E0];
	_ =	sdelay $0x4  }
0xdc: {  	v2 =	vadd.s32 v2, v3;
	_ =	sdelay $0x4  }
0xdd: {  	[tilespmem:v2+s14+$0x0] =	vst.idx.msk $0xffff, v0  }
0xde: {  	v2 =	vld [tilespmem:$0x3550]  }
0xdf: {  	v3 =	vld [tilespmem:$0x2F0];
	_ =	sdelay $0x4  }
0xe0: {  	v2 =	vadd.s32 v2, v3;
	_ =	sdelay $0x4  }
0xe1: {  	[tilespmem:v2+s14+$0x0] =	vst.idx.msk $0xffff, v0  }
0xe2: {  	v2 =	vld [tilespmem:$0x3560]  }
0xe3: {  	v3 =	vld [tilespmem:$0x300];
	_ =	sdelay $0x4  }
0xe4: {  	v2 =	vadd.s32 v2, v3;
	_ =	sdelay $0x4  }
0xe5: {  	[tilespmem:v2+s14+$0x0] =	vst.idx.msk $0xffff, v0  }
0xe6: {  	v2 =	vld [tilespmem:$0x3570]  }
0xe7: {  	v3 =	vld [tilespmem:$0x310];
	_ =	sdelay $0x4  }
0xe8: {  	v2 =	vadd.s32 v2, v3;
	_ =	sdelay $0x4  }
0xe9: {  	[tilespmem:v2+s14+$0x0] =	vst.idx.msk $0xffff, v0  }
0xea: {  	v2 =	vld [tilespmem:$0x3580]  }
0xeb: {  	v3 =	vld [tilespmem:$0x320];
	_ =	sdelay $0x4  }
0xec: {  	v2 =	vadd.s32 v2, v3;
	_ =	sdelay $0x4  }
0xed: {  	[tilespmem:v2+s14+$0x0] =	vst.idx.msk $0xffff, v0  }
0xee: {  	v2 =	vld [tilespmem:$0x3590]  }
0xef: {  	v3 =	vld [tilespmem:$0x330];
	_ =	sdelay $0x4  }
0xf0: {  	v2 =	vadd.s32 v2, v3;
	_ =	sdelay $0x3  }
0xf1: {  	s19 =	simm.s32 $0x4E0  }
0xf2: {  	s20 =	simm.s32 $0x340;
	s21 =	smov.u32 s11;
	s22 =	smov.u32 s10;
	[tilespmem:v2+s14+$0x0] =	vst.idx.msk $0xffff, v0  }
0xf3: {  	[hbm4b:s8+s3] =	stream.linear.scatter [tilespmem:s14], [sflag:$0x3], $0xA280, $0x38;
	[tilespmem:$0x17B00] =	vst v63  }
.LBB2_2:
0xf4: {  	_ =	swait.ge [sflag:s16], $0xA280  }
0xf5: {  	[sflag:s16] =	ssyncset.done $0x0  }
0xf6: {  	[sflag:s16] =	ssyncadd.s32 $0xFFFF5D80  }
0xf7: {  	v2 =	vld [tilespmem:$0x3400]  }
0xf8: {  	v3 =	vld [tilespmem:s20+$0xFFFFFCC0];
	_ =	sdelay $0x4  }
0xf9: {  	v2 =	vadd.s32 v2, v3;
	_ =	sdelay $0x4  }
0xfa: {  	[tilespmem:v2+s13+$0x0] =	vst.idx.msk $0xffff, v1  }
0xfb: {  	v2 =	vld [tilespmem:$0x3410]  }
0xfc: {  	v3 =	vld [tilespmem:s20+$0xFFFFFCD0];
	_ =	sdelay $0x4  }
0xfd: {  	v2 =	vadd.s32 v2, v3;
	_ =	sdelay $0x4  }
0xfe: {  	[tilespmem:v2+s13+$0x0] =	vst.idx.msk $0xffff, v1  }
0xff: {  	v2 =	vld [tilespmem:$0x3420]  }
0x100: {  	v3 =	vld [tilespmem:s20+$0xFFFFFCE0];
	_ =	sdelay $0x4  }
0x101: {  	v2 =	vadd.s32 v2, v3;
	_ =	sdelay $0x4  }
0x102: {  	[tilespmem:v2+s13+$0x0] =	vst.idx.msk $0xffff, v1  }
0x103: {  	v2 =	vld [tilespmem:$0x3430]  }
0x104: {  	v3 =	vld [tilespmem:s20+$0xFFFFFCF0];
	_ =	sdelay $0x4  }
0x105: {  	v2 =	vadd.s32 v2, v3;
	_ =	sdelay $0x4  }
0x106: {  	s23 =	sadd.s32 $0xFFFFFE60, s19;
	[tilespmem:v2+s13+$0x0] =	vst.idx.msk $0xffff, v1  }
0x107: {  	s23 =	sand.u32 $0x3FC0, s23;
	v2 =	vld [tilespmem:$0x3440]  }
0x108: {  	v3 =	vld [tilespmem:s23+$0xFFFFFD00];
	_ =	sdelay $0x4  }
0x109: {  	v2 =	vadd.s32 v2, v3;
	_ =	sdelay $0x4  }
0x10a: {  	[tilespmem:v2+s13+$0x0] =	vst.idx.msk $0xffff, v1  }
0x10b: {  	v2 =	vld [tilespmem:$0x3450]  }
0x10c: {  	v3 =	vld [tilespmem:s20+$0xFFFFFD10];
	_ =	sdelay $0x4  }
0x10d: {  	v2 =	vadd.s32 v2, v3;
	_ =	sdelay $0x4  }
0x10e: {  	[tilespmem:v2+s13+$0x0] =	vst.idx.msk $0xffff, v1  }
0x10f: {  	v2 =	vld [tilespmem:$0x3460]  }
0x110: {  	v3 =	vld [tilespmem:s20+$0xFFFFFD20];
	_ =	sdelay $0x4  }
0x111: {  	v2 =	vadd.s32 v2, v3;
	_ =	sdelay $0x4  }
0x112: {  	[tilespmem:v2+s13+$0x0] =	vst.idx.msk $0xffff, v1  }
0x113: {  	v2 =	vld [tilespmem:$0x3470]  }
0x114: {  	v3 =	vld [tilespmem:s20+$0xFFFFFD30];
	_ =	sdelay $0x4  }
0x115: {  	v2 =	vadd.s32 v2, v3;
	_ =	sdelay $0x4  }
0x116: {  	[tilespmem:v2+s13+$0x0] =	vst.idx.msk $0xffff, v1  }
0x117: {  	v2 =	vld [tilespmem:$0x3480]  }
0x118: {  	v3 =	vld [tilespmem:s20+$0xFFFFFD40];
	_ =	sdelay $0x4  }
0x119: {  	v2 =	vadd.s32 v2, v3;
	_ =	sdelay $0x4  }
0x11a: {  	[tilespmem:v2+s13+$0x0] =	vst.idx.msk $0xffff, v1  }
0x11b: {  	v2 =	vld [tilespmem:$0x3490]  }
0x11c: {  	v3 =	vld [tilespmem:s20+$0xFFFFFD50];
	_ =	sdelay $0x4  }
0x11d: {  	v2 =	vadd.s32 v2, v3;
	_ =	sdelay $0x4  }
0x11e: {  	[tilespmem:v2+s13+$0x0] =	vst.idx.msk $0xffff, v1  }
0x11f: {  	v2 =	vld [tilespmem:$0x34A0]  }
0x120: {  	v3 =	vld [tilespmem:s20+$0xFFFFFD60];
	_ =	sdelay $0x4  }
0x121: {  	v2 =	vadd.s32 v2, v3;
	_ =	sdelay $0x4  }
0x122: {  	[tilespmem:v2+s13+$0x0] =	vst.idx.msk $0xffff, v1  }
0x123: {  	v2 =	vld [tilespmem:$0x34B0]  }
0x124: {  	v3 =	vld [tilespmem:s20+$0xFFFFFD70];
	_ =	sdelay $0x4  }
0x125: {  	v2 =	vadd.s32 v2, v3;
	_ =	sdelay $0x4  }
0x126: {  	[tilespmem:v2+s13+$0x0] =	vst.idx.msk $0xffff, v1  }
0x127: {  	v2 =	vld [tilespmem:$0x34C0]  }
0x128: {  	v3 =	vld [tilespmem:s23+$0xFFFFFD80];
	_ =	sdelay $0x4  }
0x129: {  	v2 =	vadd.s32 v2, v3;
	_ =	sdelay $0x4  }
0x12a: {  	[tilespmem:v2+s13+$0x0] =	vst.idx.msk $0xffff, v1  }
0x12b: {  	v2 =	vld [tilespmem:$0x34D0]  }
0x12c: {  	v3 =	vld [tilespmem:s20+$0xFFFFFD90];
	_ =	sdelay $0x4  }
0x12d: {  	v2 =	vadd.s32 v2, v3;
	_ =	sdelay $0x4  }
0x12e: {  	[tilespmem:v2+s13+$0x0] =	vst.idx.msk $0xffff, v1  }
0x12f: {  	v2 =	vld [tilespmem:$0x34E0]  }
0x130: {  	v3 =	vld [tilespmem:s20+$0xFFFFFDA0];
	_ =	sdelay $0x4  }
0x131: {  	v2 =	vadd.s32 v2, v3;
	_ =	sdelay $0x4  }
0x132: {  	[tilespmem:v2+s13+$0x0] =	vst.idx.msk $0xffff, v1  }
0x133: {  	v2 =	vld [tilespmem:$0x34F0]  }
0x134: {  	v3 =	vld [tilespmem:s20+$0xFFFFFDB0];
	_ =	sdelay $0x4  }
0x135: {  	v2 =	vadd.s32 v2, v3;
	_ =	sdelay $0x4  }
0x136: {  	[tilespmem:v2+s13+$0x0] =	vst.idx.msk $0xffff, v1  }
0x137: {  	v2 =	vld [tilespmem:$0x3500]  }
0x138: {  	v3 =	vld [tilespmem:s20+$0xFFFFFDC0];
	_ =	sdelay $0x4  }
0x139: {  	v2 =	vadd.s32 v2, v3;
	_ =	sdelay $0x4  }
0x13a: {  	[tilespmem:v2+s13+$0x0] =	vst.idx.msk $0xffff, v1  }
0x13b: {  	v2 =	vld [tilespmem:$0x3510]  }
0x13c: {  	v3 =	vld [tilespmem:s20+$0xFFFFFDD0];
	_ =	sdelay $0x4  }
0x13d: {  	v2 =	vadd.s32 v2, v3;
	_ =	sdelay $0x4  }
0x13e: {  	[tilespmem:v2+s13+$0x0] =	vst.idx.msk $0xffff, v1  }
0x13f: {  	v2 =	vld [tilespmem:$0x3520]  }
0x140: {  	v3 =	vld [tilespmem:s20+$0xFFFFFDE0];
	_ =	sdelay $0x4  }
0x141: {  	v2 =	vadd.s32 v2, v3;
	_ =	sdelay $0x4  }
0x142: {  	[tilespmem:v2+s13+$0x0] =	vst.idx.msk $0xffff, v1  }
0x143: {  	v2 =	vld [tilespmem:$0x3530]  }
0x144: {  	v3 =	vld [tilespmem:s20+$0xFFFFFDF0];
	_ =	sdelay $0x4  }
0x145: {  	v2 =	vadd.s32 v2, v3;
	_ =	sdelay $0x4  }
0x146: {  	[tilespmem:v2+s13+$0x0] =	vst.idx.msk $0xffff, v1  }
0x147: {  	v2 =	vld [tilespmem:$0x3540]  }
0x148: {  	v3 =	vld [tilespmem:s23+$0xFFFFFE00];
	_ =	sdelay $0x4  }
0x149: {  	v2 =	vadd.s32 v2, v3;
	_ =	sdelay $0x4  }
0x14a: {  	[tilespmem:v2+s13+$0x0] =	vst.idx.msk $0xffff, v1  }
0x14b: {  	v2 =	vld [tilespmem:$0x3550]  }
0x14c: {  	v3 =	vld [tilespmem:s20+$0xFFFFFE10];
	_ =	sdelay $0x4  }
0x14d: {  	v2 =	vadd.s32 v2, v3;
	_ =	sdelay $0x4  }
0x14e: {  	[tilespmem:v2+s13+$0x0] =	vst.idx.msk $0xffff, v1  }
0x14f: {  	v2 =	vld [tilespmem:$0x3560]  }
0x150: {  	v3 =	vld [tilespmem:s20+$0xFFFFFE20];
	_ =	sdelay $0x4  }
0x151: {  	v2 =	vadd.s32 v2, v3;
	_ =	sdelay $0x4  }
0x152: {  	[tilespmem:v2+s13+$0x0] =	vst.idx.msk $0xffff, v1  }
0x153: {  	v2 =	vld [tilespmem:$0x3570]  }
0x154: {  	v3 =	vld [tilespmem:s20+$0xFFFFFE30];
	_ =	sdelay $0x4  }
0x155: {  	v2 =	vadd.s32 v2, v3;
	_ =	sdelay $0x4  }
0x156: {  	[tilespmem:v2+s13+$0x0] =	vst.idx.msk $0xffff, v1  }
0x157: {  	v2 =	vld [tilespmem:$0x3580]  }
0x158: {  	v3 =	vld [tilespmem:s20+$0xFFFFFE40];
	_ =	sdelay $0x4  }
0x159: {  	v2 =	vadd.s32 v2, v3;
	_ =	sdelay $0x4  }
0x15a: {  	[tilespmem:v2+s13+$0x0] =	vst.idx.msk $0xffff, v1  }
0x15b: {  	v2 =	vld [tilespmem:$0x3590]  }
0x15c: {  	v3 =	vld [tilespmem:s20+$0xFFFFFE50];
	_ =	sdelay $0x4  }
0x15d: {  	v2 =	vadd.s32 v2, v3;
	_ =	sdelay $0x4  }
0x15e: {  	[tilespmem:v2+s13+$0x0] =	vst.idx.msk $0xffff, v1  }
0x15f: {  	v2 =	vld [tilespmem:$0x3400]  }
0x160: {  	v3 =	vld [tilespmem:s20+$0x0];
	_ =	sdelay $0x4  }
0x161: {  	v2 =	vadd.s32 v2, v3;
	_ =	sdelay $0x4  }
0x162: {  	[tilespmem:v2+s13+$0x0] =	vst.idx.msk $0xffff, v0  }
0x163: {  	v2 =	vld [tilespmem:$0x3410]  }
0x164: {  	v3 =	vld [tilespmem:s20+$0x10];
	_ =	sdelay $0x4  }
0x165: {  	v2 =	vadd.s32 v2, v3;
	_ =	sdelay $0x4  }
0x166: {  	[tilespmem:v2+s13+$0x0] =	vst.idx.msk $0xffff, v0  }
0x167: {  	v2 =	vld [tilespmem:$0x3420]  }
0x168: {  	v3 =	vld [tilespmem:s20+$0x20];
	_ =	sdelay $0x4  }
0x169: {  	v2 =	vadd.s32 v2, v3;
	_ =	sdelay $0x4  }
0x16a: {  	[tilespmem:v2+s13+$0x0] =	vst.idx.msk $0xffff, v0  }
0x16b: {  	v2 =	vld [tilespmem:$0x3430]  }
0x16c: {  	v3 =	vld [tilespmem:s20+$0x30];
	_ =	sdelay $0x4  }
0x16d: {  	v2 =	vadd.s32 v2, v3;
	_ =	sdelay $0x4  }
0x16e: {  	[tilespmem:v2+s13+$0x0] =	vst.idx.msk $0xffff, v0  }
0x16f: {  	v2 =	vld [tilespmem:$0x3440]  }
0x170: {  	v3 =	vld [tilespmem:s20+$0x40];
	_ =	sdelay $0x4  }
0x171: {  	v2 =	vadd.s32 v2, v3;
	_ =	sdelay $0x4  }
0x172: {  	[tilespmem:v2+s13+$0x0] =	vst.idx.msk $0xffff, v0  }
0x173: {  	v2 =	vld [tilespmem:$0x3450]  }
0x174: {  	v3 =	vld [tilespmem:s20+$0x50];
	_ =	sdelay $0x4  }
0x175: {  	v2 =	vadd.s32 v2, v3;
	_ =	sdelay $0x4  }
0x176: {  	[tilespmem:v2+s13+$0x0] =	vst.idx.msk $0xffff, v0  }
0x177: {  	v2 =	vld [tilespmem:$0x3460]  }
0x178: {  	v3 =	vld [tilespmem:s20+$0x60];
	_ =	sdelay $0x4  }
0x179: {  	v2 =	vadd.s32 v2, v3;
	_ =	sdelay $0x4  }
0x17a: {  	[tilespmem:v2+s13+$0x0] =	vst.idx.msk $0xffff, v0  }
0x17b: {  	v2 =	vld [tilespmem:$0x3470]  }
0x17c: {  	v3 =	vld [tilespmem:s20+$0x70];
	_ =	sdelay $0x4  }
0x17d: {  	v2 =	vadd.s32 v2, v3;
	_ =	sdelay $0x4  }
0x17e: {  	[tilespmem:v2+s13+$0x0] =	vst.idx.msk $0xffff, v0  }
0x17f: {  	v2 =	vld [tilespmem:$0x3480]  }
0x180: {  	v3 =	vld [tilespmem:s23+$0x80];
	_ =	sdelay $0x4  }
0x181: {  	v2 =	vadd.s32 v2, v3;
	_ =	sdelay $0x4  }
0x182: {  	[tilespmem:v2+s13+$0x0] =	vst.idx.msk $0xffff, v0  }
0x183: {  	v2 =	vld [tilespmem:$0x3490]  }
0x184: {  	v3 =	vld [tilespmem:s20+$0x90];
	_ =	sdelay $0x4  }
0x185: {  	v2 =	vadd.s32 v2, v3;
	_ =	sdelay $0x4  }
0x186: {  	[tilespmem:v2+s13+$0x0] =	vst.idx.msk $0xffff, v0  }
0x187: {  	v2 =	vld [tilespmem:$0x34A0]  }
0x188: {  	v3 =	vld [tilespmem:s20+$0xA0];
	_ =	sdelay $0x4  }
0x189: {  	v2 =	vadd.s32 v2, v3;
	_ =	sdelay $0x4  }
0x18a: {  	[tilespmem:v2+s13+$0x0] =	vst.idx.msk $0xffff, v0  }
0x18b: {  	v2 =	vld [tilespmem:$0x34B0]  }
0x18c: {  	v3 =	vld [tilespmem:s20+$0xB0];
	_ =	sdelay $0x4  }
0x18d: {  	v2 =	vadd.s32 v2, v3;
	_ =	sdelay $0x4  }
0x18e: {  	[tilespmem:v2+s13+$0x0] =	vst.idx.msk $0xffff, v0  }
0x18f: {  	v2 =	vld [tilespmem:$0x34C0]  }
0x190: {  	v3 =	vld [tilespmem:s20+$0xC0];
	_ =	sdelay $0x4  }
0x191: {  	v2 =	vadd.s32 v2, v3;
	_ =	sdelay $0x4  }
0x192: {  	[tilespmem:v2+s13+$0x0] =	vst.idx.msk $0xffff, v0  }
0x193: {  	v2 =	vld [tilespmem:$0x34D0]  }
0x194: {  	v3 =	vld [tilespmem:s20+$0xD0];
	_ =	sdelay $0x4  }
0x195: {  	v2 =	vadd.s32 v2, v3;
	_ =	sdelay $0x4  }
0x196: {  	[tilespmem:v2+s13+$0x0] =	vst.idx.msk $0xffff, v0  }
0x197: {  	v2 =	vld [tilespmem:$0x34E0]  }
0x198: {  	v3 =	vld [tilespmem:s20+$0xE0];
	_ =	sdelay $0x4  }
0x199: {  	v2 =	vadd.s32 v2, v3;
	_ =	sdelay $0x4  }
0x19a: {  	[tilespmem:v2+s13+$0x0] =	vst.idx.msk $0xffff, v0  }
0x19b: {  	v2 =	vld [tilespmem:$0x34F0]  }
0x19c: {  	v3 =	vld [tilespmem:s20+$0xF0];
	_ =	sdelay $0x4  }
0x19d: {  	v2 =	vadd.s32 v2, v3;
	_ =	sdelay $0x4  }
0x19e: {  	[tilespmem:v2+s13+$0x0] =	vst.idx.msk $0xffff, v0  }
0x19f: {  	v2 =	vld [tilespmem:$0x3500]  }
0x1a0: {  	v3 =	vld [tilespmem:s23+$0x100];
	_ =	sdelay $0x4  }
0x1a1: {  	v2 =	vadd.s32 v2, v3;
	_ =	sdelay $0x4  }
0x1a2: {  	[tilespmem:v2+s13+$0x0] =	vst.idx.msk $0xffff, v0  }
0x1a3: {  	v2 =	vld [tilespmem:$0x3510]  }
0x1a4: {  	v3 =	vld [tilespmem:s20+$0x110];
	_ =	sdelay $0x4  }
0x1a5: {  	v2 =	vadd.s32 v2, v3;
	_ =	sdelay $0x4  }
0x1a6: {  	[tilespmem:v2+s13+$0x0] =	vst.idx.msk $0xffff, v0  }
0x1a7: {  	v2 =	vld [tilespmem:$0x3520]  }
0x1a8: {  	v3 =	vld [tilespmem:s20+$0x120];
	_ =	sdelay $0x4  }
0x1a9: {  	v2 =	vadd.s32 v2, v3;
	_ =	sdelay $0x4  }
0x1aa: {  	[tilespmem:v2+s13+$0x0] =	vst.idx.msk $0xffff, v0  }
0x1ab: {  	v2 =	vld [tilespmem:$0x3530]  }
0x1ac: {  	v3 =	vld [tilespmem:s20+$0x130];
	_ =	sdelay $0x4  }
0x1ad: {  	v2 =	vadd.s32 v2, v3;
	_ =	sdelay $0x4  }
0x1ae: {  	[tilespmem:v2+s13+$0x0] =	vst.idx.msk $0xffff, v0  }
0x1af: {  	v2 =	vld [tilespmem:$0x3540]  }
0x1b0: {  	v3 =	vld [tilespmem:s20+$0x140];
	_ =	sdelay $0x4  }
0x1b1: {  	v2 =	vadd.s32 v2, v3;
	_ =	sdelay $0x4  }
0x1b2: {  	[tilespmem:v2+s13+$0x0] =	vst.idx.msk $0xffff, v0  }
0x1b3: {  	v2 =	vld [tilespmem:$0x3550]  }
0x1b4: {  	v3 =	vld [tilespmem:s20+$0x150];
	_ =	sdelay $0x4  }
0x1b5: {  	v2 =	vadd.s32 v2, v3;
	_ =	sdelay $0x4  }
0x1b6: {  	[tilespmem:v2+s13+$0x0] =	vst.idx.msk $0xffff, v0  }
0x1b7: {  	v2 =	vld [tilespmem:$0x3560]  }
0x1b8: {  	v3 =	vld [tilespmem:s20+$0x160];
	_ =	sdelay $0x4  }
0x1b9: {  	v2 =	vadd.s32 v2, v3;
	_ =	sdelay $0x4  }
0x1ba: {  	[tilespmem:v2+s13+$0x0] =	vst.idx.msk $0xffff, v0  }
0x1bb: {  	v2 =	vld [tilespmem:$0x3570]  }
0x1bc: {  	v3 =	vld [tilespmem:s20+$0x170];
	_ =	sdelay $0x4  }
0x1bd: {  	v2 =	vadd.s32 v2, v3;
	_ =	sdelay $0x4  }
0x1be: {  	[tilespmem:v2+s13+$0x0] =	vst.idx.msk $0xffff, v0  }
0x1bf: {  	v2 =	vld [tilespmem:$0x3580]  }
0x1c0: {  	v3 =	vld [tilespmem:s23+$0x180];
	_ =	sdelay $0x4  }
0x1c1: {  	v2 =	vadd.s32 v2, v3;
	_ =	sdelay $0x4  }
0x1c2: {  	[tilespmem:v2+s13+$0x0] =	vst.idx.msk $0xffff, v0  }
0x1c3: {  	v2 =	vld [tilespmem:$0x3590]  }
0x1c4: {  	v3 =	vld [tilespmem:s20+$0x190];
	_ =	sdelay $0x4  }
0x1c5: {  	v2 =	vadd.s32 v2, v3;
	_ =	sdelay $0x3  }
0x1c6: {  	s24 =	sshrl.u32 s22, $0x3  }
0x1c7: {  	s24 =	sadd.s32 s2, s24;
	[tilespmem:v2+s13+$0x0] =	vst.idx.msk $0xffff, v0  }
0x1c8: {  	[hbm4b:s24+s3] =	stream.linear.scatter [tilespmem:s13], [sflag:$0x2], $0xA280, $0x38;
	[tilespmem:$0x17B00] =	vst v63  }
0x1c9: {  	_ =	swait.ge [sflag:s17], $0xA280  }
0x1ca: {  	[sflag:s17] =	ssyncset.done $0x0  }
0x1cb: {  	[sflag:s17] =	ssyncadd.s32 $0xFFFF5D80  }
0x1cc: {  	v2 =	vld [tilespmem:$0x3400]  }
0x1cd: {  	v3 =	vld [tilespmem:s20+$0xFFFFFE60];
	_ =	sdelay $0x4  }
0x1ce: {  	v2 =	vadd.s32 v2, v3;
	_ =	sdelay $0x4  }
0x1cf: {  	[tilespmem:v2+s14+$0x0] =	vst.idx.msk $0xffff, v1  }
0x1d0: {  	v2 =	vld [tilespmem:$0x3410]  }
0x1d1: {  	v3 =	vld [tilespmem:s20+$0xFFFFFE70];
	_ =	sdelay $0x4  }
0x1d2: {  	v2 =	vadd.s32 v2, v3;
	_ =	sdelay $0x4  }
0x1d3: {  	[tilespmem:v2+s14+$0x0] =	vst.idx.msk $0xffff, v1  }
0x1d4: {  	v2 =	vld [tilespmem:$0x3420]  }
0x1d5: {  	v3 =	vld [tilespmem:s23+$0xFFFFFE80];
	_ =	sdelay $0x4  }
0x1d6: {  	v2 =	vadd.s32 v2, v3;
	_ =	sdelay $0x4  }
0x1d7: {  	[tilespmem:v2+s14+$0x0] =	vst.idx.msk $0xffff, v1  }
0x1d8: {  	v2 =	vld [tilespmem:$0x3430]  }
0x1d9: {  	v3 =	vld [tilespmem:s20+$0xFFFFFE90];
	_ =	sdelay $0x4  }
0x1da: {  	v2 =	vadd.s32 v2, v3;
	_ =	sdelay $0x4  }
0x1db: {  	[tilespmem:v2+s14+$0x0] =	vst.idx.msk $0xffff, v1  }
0x1dc: {  	v2 =	vld [tilespmem:$0x3440]  }
0x1dd: {  	v3 =	vld [tilespmem:s20+$0xFFFFFEA0];
	_ =	sdelay $0x4  }
0x1de: {  	v2 =	vadd.s32 v2, v3;
	_ =	sdelay $0x4  }
0x1df: {  	[tilespmem:v2+s14+$0x0] =	vst.idx.msk $0xffff, v1  }
0x1e0: {  	v2 =	vld [tilespmem:$0x3450]  }
0x1e1: {  	v3 =	vld [tilespmem:s20+$0xFFFFFEB0];
	_ =	sdelay $0x4  }
0x1e2: {  	v2 =	vadd.s32 v2, v3;
	_ =	sdelay $0x4  }
0x1e3: {  	[tilespmem:v2+s14+$0x0] =	vst.idx.msk $0xffff, v1  }
0x1e4: {  	v2 =	vld [tilespmem:$0x3460]  }
0x1e5: {  	v3 =	vld [tilespmem:s20+$0xFFFFFEC0];
	_ =	sdelay $0x4  }
0x1e6: {  	v2 =	vadd.s32 v2, v3;
	_ =	sdelay $0x4  }
0x1e7: {  	[tilespmem:v2+s14+$0x0] =	vst.idx.msk $0xffff, v1  }
0x1e8: {  	v2 =	vld [tilespmem:$0x3470]  }
0x1e9: {  	v3 =	vld [tilespmem:s20+$0xFFFFFED0];
	_ =	sdelay $0x4  }
0x1ea: {  	v2 =	vadd.s32 v2, v3;
	_ =	sdelay $0x4  }
0x1eb: {  	[tilespmem:v2+s14+$0x0] =	vst.idx.msk $0xffff, v1  }
0x1ec: {  	v2 =	vld [tilespmem:$0x3480]  }
0x1ed: {  	v3 =	vld [tilespmem:s20+$0xFFFFFEE0];
	_ =	sdelay $0x4  }
0x1ee: {  	v2 =	vadd.s32 v2, v3;
	_ =	sdelay $0x4  }
0x1ef: {  	[tilespmem:v2+s14+$0x0] =	vst.idx.msk $0xffff, v1  }
0x1f0: {  	v2 =	vld [tilespmem:$0x3490]  }
0x1f1: {  	v3 =	vld [tilespmem:s20+$0xFFFFFEF0];
	_ =	sdelay $0x4  }
0x1f2: {  	v2 =	vadd.s32 v2, v3;
	_ =	sdelay $0x4  }
0x1f3: {  	[tilespmem:v2+s14+$0x0] =	vst.idx.msk $0xffff, v1  }
0x1f4: {  	v2 =	vld [tilespmem:$0x34A0]  }
0x1f5: {  	v3 =	vld [tilespmem:s23+$0xFFFFFF00];
	_ =	sdelay $0x4  }
0x1f6: {  	v2 =	vadd.s32 v2, v3;
	_ =	sdelay $0x4  }
0x1f7: {  	[tilespmem:v2+s14+$0x0] =	vst.idx.msk $0xffff, v1  }
0x1f8: {  	v2 =	vld [tilespmem:$0x34B0]  }
0x1f9: {  	v3 =	vld [tilespmem:s20+$0xFFFFFF10];
	_ =	sdelay $0x4  }
0x1fa: {  	v2 =	vadd.s32 v2, v3;
	_ =	sdelay $0x4  }
0x1fb: {  	[tilespmem:v2+s14+$0x0] =	vst.idx.msk $0xffff, v1  }
0x1fc: {  	v2 =	vld [tilespmem:$0x34C0]  }
0x1fd: {  	v3 =	vld [tilespmem:s20+$0xFFFFFF20];
	_ =	sdelay $0x4  }
0x1fe: {  	v2 =	vadd.s32 v2, v3;
	_ =	sdelay $0x4  }
0x1ff: {  	[tilespmem:v2+s14+$0x0] =	vst.idx.msk $0xffff, v1  }
0x200: {  	v2 =	vld [tilespmem:$0x34D0]  }
0x201: {  	v3 =	vld [tilespmem:s20+$0xFFFFFF30];
	_ =	sdelay $0x4  }
0x202: {  	v2 =	vadd.s32 v2, v3;
	_ =	sdelay $0x4  }
0x203: {  	[tilespmem:v2+s14+$0x0] =	vst.idx.msk $0xffff, v1  }
0x204: {  	v2 =	vld [tilespmem:$0x34E0]  }
0x205: {  	v3 =	vld [tilespmem:s20+$0xFFFFFF40];
	_ =	sdelay $0x4  }
0x206: {  	v2 =	vadd.s32 v2, v3;
	_ =	sdelay $0x4  }
0x207: {  	[tilespmem:v2+s14+$0x0] =	vst.idx.msk $0xffff, v1  }
0x208: {  	v2 =	vld [tilespmem:$0x34F0]  }
0x209: {  	v3 =	vld [tilespmem:s20+$0xFFFFFF50];
	_ =	sdelay $0x4  }
0x20a: {  	v2 =	vadd.s32 v2, v3;
	_ =	sdelay $0x4  }
0x20b: {  	[tilespmem:v2+s14+$0x0] =	vst.idx.msk $0xffff, v1  }
0x20c: {  	v2 =	vld [tilespmem:$0x3500]  }
0x20d: {  	v3 =	vld [tilespmem:s20+$0xFFFFFF60];
	_ =	sdelay $0x4  }
0x20e: {  	v2 =	vadd.s32 v2, v3;
	_ =	sdelay $0x4  }
0x20f: {  	[tilespmem:v2+s14+$0x0] =	vst.idx.msk $0xffff, v1  }
0x210: {  	v2 =	vld [tilespmem:$0x3510]  }
0x211: {  	v3 =	vld [tilespmem:s20+$0xFFFFFF70];
	_ =	sdelay $0x4  }
0x212: {  	v2 =	vadd.s32 v2, v3;
	_ =	sdelay $0x4  }
0x213: {  	[tilespmem:v2+s14+$0x0] =	vst.idx.msk $0xffff, v1  }
0x214: {  	v2 =	vld [tilespmem:$0x3520]  }
0x215: {  	v3 =	vld [tilespmem:s23+$0xFFFFFF80];
	_ =	sdelay $0x4  }
0x216: {  	v2 =	vadd.s32 v2, v3;
	_ =	sdelay $0x4  }
0x217: {  	[tilespmem:v2+s14+$0x0] =	vst.idx.msk $0xffff, v1  }
0x218: {  	v2 =	vld [tilespmem:$0x3530]  }
0x219: {  	v3 =	vld [tilespmem:s20+$0xFFFFFF90];
	_ =	sdelay $0x4  }
0x21a: {  	v2 =	vadd.s32 v2, v3;
	_ =	sdelay $0x4  }
0x21b: {  	[tilespmem:v2+s14+$0x0] =	vst.idx.msk $0xffff, v1  }
0x21c: {  	v2 =	vld [tilespmem:$0x3540]  }
0x21d: {  	v3 =	vld [tilespmem:s20+$0xFFFFFFA0];
	_ =	sdelay $0x4  }
0x21e: {  	v2 =	vadd.s32 v2, v3;
	_ =	sdelay $0x4  }
0x21f: {  	[tilespmem:v2+s14+$0x0] =	vst.idx.msk $0xffff, v1  }
0x220: {  	v2 =	vld [tilespmem:$0x3550]  }
0x221: {  	v3 =	vld [tilespmem:s20+$0xFFFFFFB0];
	_ =	sdelay $0x4  }
0x222: {  	v2 =	vadd.s32 v2, v3;
	_ =	sdelay $0x4  }
0x223: {  	[tilespmem:v2+s14+$0x0] =	vst.idx.msk $0xffff, v1  }
0x224: {  	v2 =	vld [tilespmem:$0x3560]  }
0x225: {  	v3 =	vld [tilespmem:s20+$0xFFFFFFC0];
	_ =	sdelay $0x4  }
0x226: {  	v2 =	vadd.s32 v2, v3;
	_ =	sdelay $0x4  }
0x227: {  	[tilespmem:v2+s14+$0x0] =	vst.idx.msk $0xffff, v1  }
0x228: {  	v2 =	vld [tilespmem:$0x3570]  }
0x229: {  	v3 =	vld [tilespmem:s20+$0xFFFFFFD0];
	_ =	sdelay $0x4  }
0x22a: {  	v2 =	vadd.s32 v2, v3;
	_ =	sdelay $0x4  }
0x22b: {  	[tilespmem:v2+s14+$0x0] =	vst.idx.msk $0xffff, v1  }
0x22c: {  	v2 =	vld [tilespmem:$0x3580]  }
0x22d: {  	v3 =	vld [tilespmem:s20+$0xFFFFFFE0];
	_ =	sdelay $0x4  }
0x22e: {  	v2 =	vadd.s32 v2, v3;
	_ =	sdelay $0x4  }
0x22f: {  	[tilespmem:v2+s14+$0x0] =	vst.idx.msk $0xffff, v1  }
0x230: {  	v2 =	vld [tilespmem:$0x3590]  }
0x231: {  	v3 =	vld [tilespmem:s20+$0xFFFFFFF0];
	_ =	sdelay $0x4  }
0x232: {  	v2 =	vadd.s32 v2, v3;
	_ =	sdelay $0x4  }
0x233: {  	[tilespmem:v2+s14+$0x0] =	vst.idx.msk $0xffff, v1  }
0x234: {  	v2 =	vld [tilespmem:$0x3400]  }
0x235: {  	v3 =	vld [tilespmem:s20+$0x1A0];
	_ =	sdelay $0x4  }
0x236: {  	v2 =	vadd.s32 v2, v3;
	_ =	sdelay $0x4  }
0x237: {  	[tilespmem:v2+s14+$0x0] =	vst.idx.msk $0xffff, v0  }
0x238: {  	v2 =	vld [tilespmem:$0x3410]  }
0x239: {  	v3 =	vld [tilespmem:s20+$0x1B0];
	_ =	sdelay $0x4  }
0x23a: {  	v2 =	vadd.s32 v2, v3;
	_ =	sdelay $0x4  }
0x23b: {  	[tilespmem:v2+s14+$0x0] =	vst.idx.msk $0xffff, v0  }
0x23c: {  	v2 =	vld [tilespmem:$0x3420]  }
0x23d: {  	v3 =	vld [tilespmem:s20+$0x1C0];
	_ =	sdelay $0x4  }
0x23e: {  	v2 =	vadd.s32 v2, v3;
	_ =	sdelay $0x4  }
0x23f: {  	[tilespmem:v2+s14+$0x0] =	vst.idx.msk $0xffff, v0  }
0x240: {  	v2 =	vld [tilespmem:$0x3430]  }
0x241: {  	v3 =	vld [tilespmem:s20+$0x1D0];
	_ =	sdelay $0x4  }
0x242: {  	v2 =	vadd.s32 v2, v3;
	_ =	sdelay $0x4  }
0x243: {  	[tilespmem:v2+s14+$0x0] =	vst.idx.msk $0xffff, v0  }
0x244: {  	v2 =	vld [tilespmem:$0x3440]  }
0x245: {  	v3 =	vld [tilespmem:s20+$0x1E0];
	_ =	sdelay $0x4  }
0x246: {  	v2 =	vadd.s32 v2, v3;
	_ =	sdelay $0x4  }
0x247: {  	[tilespmem:v2+s14+$0x0] =	vst.idx.msk $0xffff, v0  }
0x248: {  	v2 =	vld [tilespmem:$0x3450]  }
0x249: {  	v3 =	vld [tilespmem:s20+$0x1F0];
	_ =	sdelay $0x4  }
0x24a: {  	v2 =	vadd.s32 v2, v3;
	_ =	sdelay $0x4  }
0x24b: {  	[tilespmem:v2+s14+$0x0] =	vst.idx.msk $0xffff, v0  }
0x24c: {  	v2 =	vld [tilespmem:$0x3460]  }
0x24d: {  	v3 =	vld [tilespmem:s20+$0x200];
	_ =	sdelay $0x4  }
0x24e: {  	v2 =	vadd.s32 v2, v3;
	_ =	sdelay $0x4  }
0x24f: {  	[tilespmem:v2+s14+$0x0] =	vst.idx.msk $0xffff, v0  }
0x250: {  	v2 =	vld [tilespmem:$0x3470]  }
0x251: {  	v3 =	vld [tilespmem:s20+$0x210];
	_ =	sdelay $0x4  }
0x252: {  	v2 =	vadd.s32 v2, v3;
	_ =	sdelay $0x4  }
0x253: {  	[tilespmem:v2+s14+$0x0] =	vst.idx.msk $0xffff, v0  }
0x254: {  	s31 =	sand.u32 $0x3FE0, s19;
	v2 =	vld [tilespmem:$0x3480]  }
0x255: {  	v3 =	vld [tilespmem:s31+$0x80];
	_ =	sdelay $0x4  }
0x256: {  	v2 =	vadd.s32 v2, v3;
	_ =	sdelay $0x4  }
0x257: {  	[tilespmem:v2+s14+$0x0] =	vst.idx.msk $0xffff, v0  }
0x258: {  	v2 =	vld [tilespmem:$0x3490]  }
0x259: {  	v3 =	vld [tilespmem:s20+$0x230];
	_ =	sdelay $0x4  }
0x25a: {  	v2 =	vadd.s32 v2, v3;
	_ =	sdelay $0x4  }
0x25b: {  	[tilespmem:v2+s14+$0x0] =	vst.idx.msk $0xffff, v0  }
0x25c: {  	v2 =	vld [tilespmem:$0x34A0]  }
0x25d: {  	v3 =	vld [tilespmem:s20+$0x240];
	_ =	sdelay $0x4  }
0x25e: {  	v2 =	vadd.s32 v2, v3;
	_ =	sdelay $0x4  }
0x25f: {  	[tilespmem:v2+s14+$0x0] =	vst.idx.msk $0xffff, v0  }
0x260: {  	v2 =	vld [tilespmem:$0x34B0]  }
0x261: {  	v3 =	vld [tilespmem:s20+$0x250];
	_ =	sdelay $0x4  }
0x262: {  	v2 =	vadd.s32 v2, v3;
	_ =	sdelay $0x4  }
0x263: {  	[tilespmem:v2+s14+$0x0] =	vst.idx.msk $0xffff, v0  }
0x264: {  	v2 =	vld [tilespmem:$0x34C0]  }
0x265: {  	v3 =	vld [tilespmem:s20+$0x260];
	_ =	sdelay $0x4  }
0x266: {  	v2 =	vadd.s32 v2, v3;
	_ =	sdelay $0x4  }
0x267: {  	[tilespmem:v2+s14+$0x0] =	vst.idx.msk $0xffff, v0  }
0x268: {  	v2 =	vld [tilespmem:$0x34D0]  }
0x269: {  	v3 =	vld [tilespmem:s20+$0x270];
	_ =	sdelay $0x4  }
0x26a: {  	v2 =	vadd.s32 v2, v3;
	_ =	sdelay $0x4  }
0x26b: {  	[tilespmem:v2+s14+$0x0] =	vst.idx.msk $0xffff, v0  }
0x26c: {  	v2 =	vld [tilespmem:$0x34E0]  }
0x26d: {  	v3 =	vld [tilespmem:s20+$0x280];
	_ =	sdelay $0x4  }
0x26e: {  	v2 =	vadd.s32 v2, v3;
	_ =	sdelay $0x4  }
0x26f: {  	[tilespmem:v2+s14+$0x0] =	vst.idx.msk $0xffff, v0  }
0x270: {  	v2 =	vld [tilespmem:$0x34F0]  }
0x271: {  	v3 =	vld [tilespmem:s20+$0x290];
	_ =	sdelay $0x4  }
0x272: {  	v2 =	vadd.s32 v2, v3;
	_ =	sdelay $0x4  }
0x273: {  	[tilespmem:v2+s14+$0x0] =	vst.idx.msk $0xffff, v0  }
0x274: {  	v2 =	vld [tilespmem:$0x3500]  }
0x275: {  	v3 =	vld [tilespmem:s31+$0x100];
	_ =	sdelay $0x4  }
0x276: {  	v2 =	vadd.s32 v2, v3;
	_ =	sdelay $0x4  }
0x277: {  	[tilespmem:v2+s14+$0x0] =	vst.idx.msk $0xffff, v0  }
0x278: {  	v2 =	vld [tilespmem:$0x3510]  }
0x279: {  	v3 =	vld [tilespmem:s20+$0x2B0];
	_ =	sdelay $0x4  }
0x27a: {  	v2 =	vadd.s32 v2, v3;
	_ =	sdelay $0x4  }
0x27b: {  	[tilespmem:v2+s14+$0x0] =	vst.idx.msk $0xffff, v0  }
0x27c: {  	v2 =	vld [tilespmem:$0x3520]  }
0x27d: {  	v3 =	vld [tilespmem:s20+$0x2C0];
	_ =	sdelay $0x4  }
0x27e: {  	v2 =	vadd.s32 v2, v3;
	_ =	sdelay $0x4  }
0x27f: {  	[tilespmem:v2+s14+$0x0] =	vst.idx.msk $0xffff, v0  }
0x280: {  	v2 =	vld [tilespmem:$0x3530]  }
0x281: {  	v3 =	vld [tilespmem:s20+$0x2D0];
	_ =	sdelay $0x4  }
0x282: {  	v2 =	vadd.s32 v2, v3;
	_ =	sdelay $0x4  }
0x283: {  	[tilespmem:v2+s14+$0x0] =	vst.idx.msk $0xffff, v0  }
0x284: {  	v2 =	vld [tilespmem:$0x3540]  }
0x285: {  	v3 =	vld [tilespmem:s20+$0x2E0];
	_ =	sdelay $0x4  }
0x286: {  	v2 =	vadd.s32 v2, v3;
	_ =	sdelay $0x4  }
0x287: {  	[tilespmem:v2+s14+$0x0] =	vst.idx.msk $0xffff, v0  }
0x288: {  	v2 =	vld [tilespmem:$0x3550]  }
0x289: {  	v3 =	vld [tilespmem:s20+$0x2F0];
	_ =	sdelay $0x4  }
0x28a: {  	v2 =	vadd.s32 v2, v3;
	_ =	sdelay $0x4  }
0x28b: {  	[tilespmem:v2+s14+$0x0] =	vst.idx.msk $0xffff, v0  }
0x28c: {  	v2 =	vld [tilespmem:$0x3560]  }
0x28d: {  	v3 =	vld [tilespmem:s20+$0x300];
	_ =	sdelay $0x4  }
0x28e: {  	v2 =	vadd.s32 v2, v3;
	_ =	sdelay $0x4  }
0x28f: {  	[tilespmem:v2+s14+$0x0] =	vst.idx.msk $0xffff, v0  }
0x290: {  	v2 =	vld [tilespmem:$0x3570]  }
0x291: {  	v3 =	vld [tilespmem:s20+$0x310];
	_ =	sdelay $0x4  }
0x292: {  	v2 =	vadd.s32 v2, v3;
	_ =	sdelay $0x4  }
0x293: {  	[tilespmem:v2+s14+$0x0] =	vst.idx.msk $0xffff, v0  }
0x294: {  	v2 =	vld [tilespmem:$0x3580]  }
0x295: {  	v3 =	vld [tilespmem:s31+$0x180];
	_ =	sdelay $0x4  }
0x296: {  	v2 =	vadd.s32 v2, v3;
	_ =	sdelay $0x4  }
0x297: {  	[tilespmem:v2+s14+$0x0] =	vst.idx.msk $0xffff, v0  }
0x298: {  	v2 =	vld [tilespmem:$0x3590]  }
0x299: {  	v3 =	vld [tilespmem:s20+$0x330];
	_ =	sdelay $0x4  }
0x29a: {  	v2 =	vadd.s32 v2, v3;
	_ =	sdelay $0x1  }
0x29b: {  	p0 =	sne.s32 s19, $0x3260  }
.Ltmp0:
0x29c: {  	_ = 	snop;
	(pc) =	sbr.rel @p0 .LBB2_2-.Ltmp0, $4  }
0x29d: {  	_ = 	snop  }
0x29e: {  	s22 =	sadd.s32 $0x14500, s22;
	[tilespmem:v2+s14+$0x0] =	vst.idx.msk $0xffff, v0  }
0x29f: {  	[hbm4b:s21+s3] =	stream.linear.scatter [tilespmem:s14], [sflag:$0x3], $0xA280, $0x38;
	[tilespmem:$0x17B00] =	vst v63  }
0x2a0: {  	s19 =	sadd.s32 $0x340, s19;
	s20 =	sadd.s32 $0x340, s20;
	s21 =	sadd.s32 $0x28A0, s21  }
0x2a1: {  	s18 =	sadd.s32 $0x1, s18  }
0x2a2: {  	_ =	swait.ge [sflag:s16], $0xA280;
	p0 =	sne.s32 s18, s9  }
.Ltmp1:
0x2a3: {  	[sflag:s16] =	ssyncset.done $0x0;
	(pc) =	sbr.rel @p0 .LBB2_1-.Ltmp1, $4  }
0x2a4: {  	[sflag:s16] =	ssyncadd.s32 $0xFFFF5D80  }
0x2a5: {  	_ =	swait.ge [sflag:s17], $0xA280  }
0x2a6: {  	[sflag:s17] =	ssyncset.done $0x0  }
0x2a7: {  	[sflag:s17] =	ssyncadd.s32 $0xFFFF5D80  }
0x2a8: {  	_ =	sfence.sel $0x180000  }
0x2a9: {  	[bflag:$0x0] =	sbarrier.arrive $0xFFFF  }
0x2aa: {  	p0 =	sne.s32 s0, $0x0;
	_ =	strace $0x90000047  }
0x2ab: {  	s0 =	sadd.s32 @!p0 $0x100000, s1;
	[bflag:$0x2] =	sbarrier.arrive $0xFFFF  }
0x2ac: {  	[sflag:s0] =	ssyncadd.tile.s32 @!p0 $0x1;
	_ =	shalt  }
.Lfunc_end2:
_tile_overlayer_lowered:
.L_overlay_start_2:
0x2ad: {  	(tag) =	ssettag $0x2  }
0x2ae: {  	s0 =	rddreg [dreg:$0x0];
	s2 =	stileid.u32  }
0x2af: {  	s1 =	rddreg [dreg:$0x1];
	p0 =	sne.s32 s2, $0x0  }
0x2b0: {  	s3 =	rddreg [dreg:$0x2];
	[bflag:$0x3] =	sbarrier.arrive $0xFFFF;
	s2 =	simm.s32 @!p0 $0x1C04  }
0x2b1: {  	[timem:s3], [sflag:s2] =	dma.local @!p0 [hbm:s0], s1  }
0x2b2: {  	s0 =	simm.s32 @!p0 $0x4  }
0x2b3: {  	_ =	swait.ge @!p0 [sflag:s0], s1  }
0x2b4: {  	s1 =	ssub.s32 @!p0 $0x0, s1;
	[sflag:s0] =	ssyncset.done @!p0 $0x0  }
0x2b5: {  	[sflag:s0] =	ssyncadd.s32 @!p0 s1  }
0x2b6: {  	[bflag:$0x3] =	sbarrier.arrive $0xFFFF  }
0x2b7: {  	_ =	shalt  }

// kernel: sparse-core-data-format-call.cloned.1.call-start
scs
called_computation_lowered:
.L_overlay_start_0:
0x0: {  	s2 =	sld [smem:$0x3FD9]  }
0x1: {  	s3 =	sld [smem:$0x3FFE];
	_ =	sdelay $0x1  }
0x2: {  	s1 =	srdreg.scid  }
0x3: {  	s0 =	sand.u32 $0x1, s1  }
0x4: {  	s18 =	sshll.u32 s0, $0xA;
	s2 =	sadd.s32 s3, s2  }
0x5: {  	s2 =	sadd.s32 s2, s18  }
0x6: {  	[smem:$0x3FC7] =	sst s2  }
0x7: {  	_ = 	snop  }
0x8: {  	s2 =	sld [smem:$0x3FD0];
	(tm) =	ssettm $0x1  }
0x9: {  	s19 =	sld [smem:$0x3FFB];
	_ =	sdelay $0x3  }
0xa: {  	_ =	strace s19  }
0xb: {  	s3 =	sld [smem:$0x3FFC];
	_ =	sdelay $0x3  }
0xc: {  	_ =	strace s3  }
0xd: {  	s3 =	sld [smem:$0x3FFD];
	_ =	sdelay $0x3  }
0xe: {  	_ =	strace s3  }
0xf: {  	_ =	strace $0x8FFFFFFF  }
0x10: {  	s20 =	sld [smem:$0x3FDB];
	_ =	sdelay $0x1  }
0x11: {  	s4 =	simm.s32 $_scs_section_size  }
0x12: {  	s5 =	simm.s32 $_size__tile_overlayer_lowered;
	s6 =	simm.s32 $_tile_overlayer_lowered  }
0x13: {  	s23 =	simm.s32 $0x1BFF;
	s22 =	sshll.u32 s6, $0x1;
	s3 =	sadd.s32 s4, s20  }
0x14: {  	s7 =	simm.s32 $0x0;
	s21 =	sshll.u32 s5, $0x1;
	s5 =	sadd.s32 s22, s3  }
0x15: {  	[timem:s7], [sflag:s23] =	dma.local [hbm:s5], s21  }
0x16: {  	_ =	swait.ge [sflag:s23], s21  }
0x17: {  	s4 =	ssub.s32 $0x0, s21;
	[sflag:s23] =	ssyncset.done $0x0  }
0x18: {  	[sflag:s23] =	ssyncadd.s32 s4;
	_ =	sdelay $0x1  }
0x19: {  	s24 =	simm.s32 $0x1B8B  }
0x1a: {  	_ =	swait.ge [sflag:s24], $0x1  }
0x1b: {  	[sflag:s24] =	ssyncset.done $0x0  }
0x1c: {  	s26 =	simm.s32 $0x1B8E;
	s25 =	sld [smem:$0x3FFE];
	[sflag:s24] =	ssyncadd.s32 $0xFFFFFFFF  }
0x1d: {  	s27 =	simm.s32 $execute0_lowered;
	[smem:$0x3FD2] =	sst s26  }
0x1e: {  	s5 =	sshll.u32 s27, $0x1;
	_ =	strace $0x80000049;
	[dreg:$0x1] =	wrdreg $0xFFFFFFFF  }
0x1f: {  	s28 =	simm.s32 $_size_execute0_lowered;
	s3 =	sadd.s32 s3, s5;
	[dreg:$0x0] =	wrdreg $0x0  }
0x20: {  	s5 =	sshll.u32 s28, $0x1;
	[dreg:$0x2] =	wrdreg s3  }
0x21: {  	[dreg:$0x3] =	wrdreg s5  }
0x22: {  	[dreg:$0x4] =	wrdreg $0xC0  }
0x23: {  	_ =	task [dreg:s7], $0x5FFFF  }
0x24: {  	[dreg:$0x1] =	wrdreg $0xFFFFFFFF  }
0x25: {  	[dreg:$0x0] =	wrdreg $0x60  }
0x26: {  	[dreg:$0x2] =	wrdreg s25  }
0x27: {  	[dreg:$0x3] =	wrdreg s2  }
0x28: {  	[dreg:$0x4] =	wrdreg $0x9  }
0x29: {  	_ =	task.clear_ibuf [dreg:s7], $0x5FFFF;
	_ =	strace $0x90000049  }
0x2a: {  	s29 =	simm.s32 $0x9;
	_ =	strace $0x8000004B  }
0x2b: {  	_ =	swait.ge [sflag:s29], $0x1  }
0x2c: {  	[sflag:s29] =	ssyncadd.s32 $0xFFFFFFFF  }
0x2d: {  	_ =	strace $0x9000004B  }
0x2e: {  	_ =	sfence  }
0x2f: {  	s30 =	sld [smem:$0x0];
	_ =	sdelay $0x2  }
0x30: {  	s31 =	sshll.u32 s1, $0xD;
	s1 =	sshrl.u32 s1, $0x2  }
0x31: {  	s3 =	sand.u32 $0x4000, s31;
	s1 =	sadd.s32 s1, s30  }
0x32: {  	s0 =	sor.u32 s3, s0;
	s1 =	sshll.u32 s1, $0x11  }
0x33: {  	s0 =	sor.u32 s1, s0  }
0x34: {  	s0 =	sadd.s32 $0x8F2B, s0  }
0x35: {  	[sflag:s0] =	ssyncadd.remote.s32 $0x1  }
0x36: {  	_ =	sfence.sel $0xFFFF  }
0x37: {  	[dreg:$0x0] =	wrdreg $0xFFFFFFFF;
	(pc) =	sbr.abs _section_cstart, $3  }
0x38: {  	[dreg:$0x1] =	wrdreg $0xFFFFFFFF  }
0x39: {  	_ =	task.clear_ibuf [dreg:s7], $0x2FFFF;
	_ =	strace $0x9FFFFFFF  }
0x3a: {  	(tm) =	ssettm $0x7FFFFFFF  }
0x3b: {  	_ =	shalt  }
tec
execute0_lowered:
.L_overlay_start_1:
0x0: {  	(tag) =	ssettag $0x1  }
0x1: {  	s0 =	srdreg.scid  }
0x2: {  	s1 =	sshll.u32 s0, $0x4  }
0x3: {  	s6 =	rddreg [dreg:$0x0];
	s0 =	stileid.u32;
	s1 =	sand.u32 $0x10, s1  }
0x4: {  	s3 =	rddreg [dreg:$0x1];
	s1 =	sor.u32 s0, s1  }
0x5: {  	s5 =	simm.s32 $0x1;
	s31 =	simm.s32 $0x2;
	s2 =	sshll.u32 s1, $0x7  }
0x6: {  	s15 =	simm.s32 $0x0;
	s8 =	simm.s32 $0x20000;
	s4 =	ssub.s32 $0x4000, s2  }
0x7: {  	s14 =	simm.s32 $0x0;
	s9 =	simm.s32 $0x0;
	s30 =	sand.u32 $0xF80, s4  }
0x8: {  	s10 =	simm.s32 $0x0;
	s11 =	simm.s32 $0x0;
	p0 =	sne.s32 s30, $0x0  }
.Ltmp0:
0x9: {  	s7 =	sshrl.u32 s4, $0xC;
	s5 =	simm.s32 @!p0 $0x0;
	(pc) =	sbr.rel .LBB1_1-.Ltmp0, $4  }
0xa: {  	s13 =	simm.s32 $0x0;
	s1 =	rddreg [dreg:$0x2];
	s5 =	sadd.s32 s5, s7  }
0xb: {  	_ =	strace $0x8000004A;
	s4 =	simm.s32 $0x1;
	s5 =	smul.u32 $0x15, s5  }
0xc: {  	s6 =	sadd.s32 $0x800, s6;
	s12 =	smov.u32 s2;
	[sflag:s4] =	ssyncpa.u1 $0x0  }
0xd: {  	[sflag:s31] =	ssyncpa.u1 $0x0;
	p0 =	por $0x0, $0x0;
	s7 =	sadd.s32 $0x1, s5  }
.LBB1_4:
0xe: {  	s20 =	sshra.s32 s20, $0x2  }
0xf: {  	s28 =	sand.u32 $0x78, s10;
	s21 =	sshll.u32 s9, $0xE;
	s22 =	sshll.u32 s10, $0x3  }
0x10: {  	s24 =	sshll.u32 s9, $0x7;
	p1 =	sgt.s32 s9, $0x9A8;
	s30 =	sshra.s32 s9, $0x1F  }
0x11: {  	s26 =	sshra.s32 s10, $0x1F;
	s19 =	sadd.s32 s20, s19;
	s21 =	sand.u32 $0xFFFE0000, s21  }
0x12: {  	v5 =	vld [tilespmem:s17+$0xFFFFFFD0];
	[tilespmem:s18+$0x2040 ss:$0x81] =	vst.msk $0xffff, v4;
	s23 =	sand.u32 $0xFFFFFC00, s22;
	s29 =	sand.u32 $0x380, s24;
	s22 =	sand.u32 $0x3C00, s22  }
0x13: {  	v58 =	vld [tilespmem:s17+$0xFFFFFFE0];
	[tilespmem:s18+$0x2850 ss:$0x81] =	vst.msk $0xffff, v3;
	s21 =	sadd.s32 s23, s21;
	s20 =	sor.u32 s28, s22;
	s22 =	smov.u32 s9  }
0x14: {  	v59 =	vld [tilespmem:s17+$0xFFFFFFF0];
	[tilespmem:s18+$0x3060 ss:$0x81] =	vst.msk $0xffff, v2;
	s24 =	sand.u32 s30, s9;
	s21 =	sshrl.u32 s21, $0xE;
	s22 =	simm.s32 @!p1 $0x9A8  }
0x15: {  	v60 =	vld [tilespmem:s17+$0x0];
	[tilespmem:s18+$0x0 ss:$0x81] =	vst.msk $0xffff, v1;
	p1 =	sgt.s32 s10, $0x3F80;
	s31 =	ssub.s32 s22, s24;
	s22 =	smov.u32 s10  }
0x16: {  	v61 =	vld [tilespmem:s17+$0x10];
	[tilespmem:s19+$0x3870 ss:$0x81] =	vst.msk $0xffff, v0;
	s25 =	smulhi.u32 $0x1934C7, s21;
	s24 =	sand.u32 s26, s10;
	s22 =	simm.s32 @!p1 $0x3F80  }
0x17: {  	v62 =	vld [tilespmem:s17+$0x20];
	s20 =	sor.u32 s29, s20;
	[tilespmem:s19+$0x810 ss:$0x81] =	vst.msk $0xffff, v5;
	s27 =	sadd.s32 $0xFFFFF658, s31;
	s22 =	ssub.s32 s22, s24  }
0x18: {  	v63 =	vld [tilespmem:s17+$0xFFFFFFC0];
	[tilespmem:s19+$0x1020 ss:$0x81] =	vst.msk $0xffff, v58;
	s18 =	ssub.s32 $0xA28, s31;
	s28 =	smul.u32 $0xA28, s25;
	s29 =	sadd.s32 $0xFFFFC080, s22  }
0x19: {  	[tilespmem:s19+$0x1830 ss:$0x81] =	vst.msk $0xffff, v59;
	p1 =	sgt.s32 s27, $0x7F;
	s22 =	ssub.s32 $0x4000, s22;
	p2 =	sgt.s32 s29, $0x7F  }
0x1a: {  	s30 =	sand.u32 $0x7, s10;
	[tilespmem:s19+$0x2040 ss:$0x81] =	vst.msk $0xffff, v60;
	s18 =	simm.s32 @p1 $0x0;
	s22 =	simm.s32 @p2 $0x0  }
0x1b: {  	s20 =	sshrl.u32 s20, $0x3;
	[tilespmem:s19+$0x2850 ss:$0x81] =	vst.msk $0xffff, v61;
	s17 =	ssub.s32 s21, s28;
	s18 =	smul.u32 s22, s18  }
0x1c: {  	[tilespmem:s19+$0x3060 ss:$0x81] =	vst.msk $0xffff, v62;
	s20 =	sadd.s32 s3, s20;
	s21 =	sshll.u32 s30, $0x12;
	s17 =	sshll.u32 s17, $0xB  }
0x1d: {  	[tilespmem:s19+$0x0 ss:$0x81] =	vst.msk $0xffff, v63;
	s31 =	sor.u32 $0x400, s21;
	s17 =	sadd.s32 s17, s20;
	s18 =	sand.u32 $0x3FFFFFFF, s18  }
0x1e: {  	[hbm4b:s17+s31] =	stream.strided.scatter [tilespmem:s16], [sflag:$0x2], s18, s8, s31, $0x20;
	[tilespmem:$0x10100] =	vst v63  }
.LBB1_5:
0x1f: {  	p1 =	slt.u32 s13, $0x2  }
0x20: {  	s17 =	smov.u32 s15;
	p2 =	sgt.s32 @!p1 s15, $0x9A8;
	s16 =	sshra.s32 @!p1 s15, $0x1F  }
0x21: {  	p3 =	sgt.s32 @!p1 s14, $0x3F80;
	s18 =	sshra.s32 @!p1 s14, $0x1F;
	p2 =	por !p2, p1  }
0x22: {  	s15 =	sand.u32 @!p1 s16, s15;
	p3 =	por !p3, p1;
	s16 =	smov.u32 s14  }
0x23: {  	s14 =	sand.u32 @!p1 s18, s14;
	s17 =	simm.s32 @p2 $0x9A8;
	s16 =	simm.s32 @p3 $0x3F80  }
0x24: {  	s15 =	ssub.s32 @!p1 s17, s15;
	s14 =	ssub.s32 @!p1 s16, s14  }
0x25: {  	s18 =	smov.u32 s12;
	s16 =	sadd.s32 @!p1 $0xFFFFF658, s15;
	s17 =	sadd.s32 @!p1 $0xFFFFC080, s14  }
0x26: {  	s15 =	ssub.s32 @!p1 $0xA28, s15;
	p2 =	sgt.s32 @!p1 s16, $0x7F;
	p3 =	sgt.s32 @!p1 s17, $0x7F  }
0x27: {  	s14 =	ssub.s32 @!p1 $0x4000, s14;
	p2 =	por !p2, p1;
	p3 =	por !p3, p1  }
0x28: {  	s16 =	sadd.s32 $0x80, s11;
	s15 =	simm.s32 @!p2 $0x0;
	s14 =	simm.s32 @!p3 $0x0  }
0x29: {  	p2 =	sgt.s32 s16, $0xA27;
	s14 =	smul.u32 @!p1 s14, s15;
	s15 =	sadd.s32 $0x1000, s12  }
0x2a: {  	s18 =	smov.u32 @p2 s15  }
0x2b: {  	s16 =	simm.s32 @p2 $0x0;
	p2 =	sgt.s32 s18, $0x3FFF  }
0x2c: {  	s18 =	smov.u32 @p2 s2;
	p2 =	sne.s32 s13, s7  }
.Ltmp1:
0x2d: {  	p0 =	por !p0, !p0;
	s17 =	simm.s32 @!p1 $0x2;
	(pc) =	sbr.rel @!p2 .LBB1_6-.Ltmp1, $4  }
0x2e: {  	s15 =	smov.u32 s9;
	s9 =	smov.u32 s11;
	s14 =	sand.u32 @!p1 $0x3FFFFFFF, s14  }
0x2f: {  	s11 =	smov.u32 s16;
	_ =	swait.ge @!p1 [sflag:s17], s14;
	s19 =	ssub.s32 @!p1 $0x0, s14  }
0x30: {  	s14 =	smov.u32 s10;
	s13 =	sadd.s32 $0x1, s13;
	[sflag:s17] =	ssyncset.done @!p1 $0x0  }
0x31: {  	s10 =	smov.u32 s12;
	s12 =	smov.u32 s18;
	[sflag:s17] =	ssyncadd.s32 @!p1 s19  }
.LBB1_1:
0x32: {  	p1 =	sge.u32 s13, s5  }
0x33: {  	s16 =	sshrl.u32 @!p1 s12, $0x3  }
0x34: {  	s17 =	sshll.u32 @!p1 s11, $0x3;
	s16 =	smul.u32 @!p1 $0x5400, s16  }
0x35: {  	s18 =	sshll.u32 @!p1 s12, $0x7;
	s17 =	sand.u32 @!p1 $0xFFFFFC00, s17  }
0x36: {  	s16 =	sadd.s32 @!p1 s16, s17;
	s17 =	sand.u32 @!p1 $0x380, s18  }
0x37: {  	s16 =	sor.u32 @!p1 s17, s16  }
0x38: {  	s17 =	sshrl.u32 @!p1 s16, $0x7  }
0x39: {  	s17 =	smulhi.u32 @!p1 $0xC30C30D, s17;
	_ =	sdelay $0x1  }
0x3a: {  	s18 =	sand.u32 @!p1 $0x7F, s11;
	s19 =	smul.u32 @!p1 $0xA80, s17  }
0x3b: {  	s31 =	sadd.s32 $0xFFFFFFFF, s13;
	s16 =	sor.u32 @!p1 s18, s16;
	s18 =	sxor.u32 @!p1 $0xFFFFFFFF, s13  }
0x3c: {  	s18 =	sshll.u32 @!p1 s18, $0xE;
	s17 =	sand.u32 @!p1 $0x3FFF, s17;
	s16 =	ssub.s32 @!p1 s16, s19  }
0x3d: {  	s17 =	smul.u32 @!p1 $0x150, s17;
	s19 =	sshrl.u32 @!p1 s16, $0x3;
	s16 =	sand.u32 @!p1 $0x7, s16  }
0x3e: {  	s18 =	sand.u32 @!p1 $0x4000, s18;
	s19 =	sadd.s32 @!p1 s6, s19;
	s16 =	sshll.u32 @!p1 s16, $0x12  }
0x3f: {  	s17 =	sadd.s32 @!p1 s17, s19;
	s16 =	sor.u32 @!p1 $0x400, s16;
	s19 =	simm.s32 @!p1 $0x5400  }
0x40: {  	[tilespmem:s18], [sflag:$0x1] =	stream.strided.gather @!p1 [hbm4b:s17+s16], $0x4000, s19, s16, $0x38;
	[tilespmem:$0x10100] =	vst v63  }
0x41: {  	p1 =	sge.u32 s31, s5  }
.Ltmp2:
0x42: {  	_ = 	snop;
	(pc) =	sbr.rel @p1 .LBB1_5-.Ltmp2, $1  }
0x43: {  	_ =	sdelay $0x3  }
0x44: {  	s16 =	simm.s32 $0x1  }
0x45: {  	_ =	swait.ge [sflag:s4], $0x4000;
	s16 =	simm.s32 @!p0 $0x0  }
0x46: {  	[sflag:s4] =	ssyncset.done $0x0;
	s17 =	sshll.u32 s16, $0xE  }
0x47: {  	[sflag:s4] =	ssyncadd.s32 $0xFFFFC000;
	s17 =	sor.u32 $0x40, s17  }
0x48: {  	s16 =	smul.u32 $0x10200, s16;
	v0 =	vld [tilespmem:s17+$0x30]  }
0x49: {  	v1 =	vld [tilespmem:s17+$0xFFFFFFD0]  }
0x4a: {  	s16 =	sshrl.u32 s16, $0x2;
	v5 =	vld [tilespmem:s17+$0xFFFFFFE0]  }
0x4b: {  	v6 =	vld [tilespmem:s17+$0xFFFFFFF0];
	s19 =	sor.u32 $0x8000, s16  }
0x4c: {  	s31 =	sand.u32 $0x1, s13;
	v4 =	vld [tilespmem:s17+$0x0];
	s18 =	sadd.s32 $0x0, s19  }
0x4d: {  	v3 =	vld [tilespmem:s17+$0x10];
	s16 =	smul.u32 $0x10200, s31;
	[tilespmem:s18+$0x3870 ss:$0x81] =	vst.msk $0xffff, v0  }
0x4e: {  	v2 =	vld [tilespmem:s17+$0x20];
	[tilespmem:s18+$0x810 ss:$0x81] =	vst.msk $0xffff, v1  }
0x4f: {  	s16 =	sshrl.u32 s16, $0x2;
	v1 =	vld [tilespmem:s17+$0xFFFFFFC0];
	[tilespmem:s18+$0x1020 ss:$0x81] =	vst.msk $0xffff, v5;
	s17 =	sadd.s32 $0x80, s17  }
0x50: {  	s20 =	simm.s32 $0x4;
	s21 =	simm.s32 $0x8;
	s16 =	sor.u32 $0x8000, s16;
	[tilespmem:s18+$0x1830 ss:$0x81] =	vst.msk $0xffff, v6;
	v0 =	vld [tilespmem:s17+$0x30]  }
.LBB1_3:
0x51: {  	p1 =	sne.s32 s21, $0x1FC;
	v5 =	vld [tilespmem:s17+$0xFFFFFFD0];
	[tilespmem:s18+$0x2040 ss:$0x81] =	vst.msk $0xffff, v4  }
0x52: {  	v6 =	vld [tilespmem:s17+$0xFFFFFFE0];
	[tilespmem:s18+$0x2850 ss:$0x81] =	vst.msk $0xffff, v3  }
0x53: {  	s22 =	sshra.s32 s20, $0x2;
	s20 =	smov.u32 s21;
	v7 =	vld [tilespmem:s17+$0xFFFFFFF0];
	[tilespmem:s18+$0x3060 ss:$0x81] =	vst.msk $0xffff, v2  }
.Ltmp3:
0x54: {  	v4 =	vld [tilespmem:s17+$0x0];
	[tilespmem:s18+$0x0 ss:$0x81] =	vst.msk $0xffff, v1;
	s18 =	sadd.s32 s22, s19;
	(pc) =	sbr.rel @p1 .LBB1_3-.Ltmp3, $4  }
0x55: {  	v3 =	vld [tilespmem:s17+$0x10];
	[tilespmem:s18+$0x3870 ss:$0x81] =	vst.msk $0xffff, v0  }
0x56: {  	[tilespmem:s18+$0x810 ss:$0x81] =	vst.msk $0xffff, v5;
	v2 =	vld [tilespmem:s17+$0x20]  }
0x57: {  	v1 =	vld [tilespmem:s17+$0xFFFFFFC0];
	[tilespmem:s18+$0x1020 ss:$0x81] =	vst.msk $0xffff, v6;
	s17 =	sadd.s32 $0x80, s17  }
0x58: {  	s21 =	sadd.s32 $0x4, s21;
	v0 =	vld [tilespmem:s17+$0x30];
	[tilespmem:s18+$0x1830 ss:$0x81] =	vst.msk $0xffff, v7  }
.Ltmp4:
0x59: {  	_ = 	snop;
	(pc) =	sbr.rel .LBB1_4-.Ltmp4, $1  }
0x5a: {  	_ =	sdelay $0x3  }
.LBB1_6:
0x5b: {  	_ =	sfence.sel $0x180000  }
0x5c: {  	s2 =	simm.s32 $0x1;
	[bflag:$0x0] =	sbarrier.arrive $0xFFFF  }
0x5d: {  	s31 =	simm.s32 $0x2;
	[sflag:s2] =	ssyncpa.u1 $0x1  }
0x5e: {  	[sflag:s31] =	ssyncpa.u1 $0x1  }
0x5f: {  	p0 =	sne.s32 s0, $0x0;
	_ =	strace $0x9000004A  }
0x60: {  	s0 =	sadd.s32 @!p0 $0x100000, s1;
	[bflag:$0x2] =	sbarrier.arrive $0xFFFF  }
0x61: {  	[sflag:s0] =	ssyncadd.tile.s32 @!p0 $0x1;
	_ =	shalt  }
.Lfunc_end1:
_tile_overlayer_lowered:
.L_overlay_start_2:
0x62: {  	(tag) =	ssettag $0x2  }
0x63: {  	s0 =	rddreg [dreg:$0x0];
	s2 =	stileid.u32  }
0x64: {  	s1 =	rddreg [dreg:$0x1];
	p0 =	sne.s32 s2, $0x0  }
0x65: {  	s3 =	rddreg [dreg:$0x2];
	[bflag:$0x3] =	sbarrier.arrive $0xFFFF;
	s2 =	simm.s32 @!p0 $0x1C01  }
0x66: {  	[timem:s3], [sflag:s2] =	dma.local @!p0 [hbm:s0], s1  }
0x67: {  	s0 =	simm.s32 @!p0 $0x1  }
0x68: {  	_ =	swait.ge @!p0 [sflag:s0], s1  }
0x69: {  	s1 =	ssub.s32 @!p0 $0x0, s1;
	[sflag:s0] =	ssyncset.done @!p0 $0x0  }
0x6a: {  	[sflag:s0] =	ssyncadd.s32 @!p0 s1  }
0x6b: {  	[bflag:$0x3] =	sbarrier.arrive $0xFFFF  }
0x6c: {  	_ =	shalt  }

</sc_bundles>
